<compile_context>
chip_gen: v7x
topology: tpu7x:2x2x1
jax: 0.10.2.dev20260603
libtpu: 0.0.44.dev20260713+nightly
codegen_flags: <defaults>
</compile_context>

<pallas_src>
import functools

import jax
import jax.numpy as jnp
from jax import lax
from jax.experimental import pallas as pl
from jax.experimental.pallas import tpu as pltpu
from jax.experimental.pallas import tpu_sc as plsc

NC = 2
NS = 16
CH = 128


def _matmul_body(x_ref, w_ref, y_ref):
    y_ref[0] = jnp.dot(x_ref[...], w_ref[0], preferred_element_type=jnp.float32)


def _combine2_body(p0_ref, p1_ref, o_ref):
    o_ref[...] = p0_ref[0] + p0_ref[1] + p1_ref[0] + p1_ref[1]


def _add2_body(a_ref, p_ref, o_ref):
    o_ref[...] = a_ref[...] + p_ref[0] + p_ref[1]


def _final_body(a_ref, p_ref, b_ref, o_ref):
    o_ref[...] = a_ref[...] + p_ref[0] + p_ref[1] + b_ref[0][None, :]


def _make_scatter_kernel(n_ch, acc_rows, d_out):
    mesh = plsc.VectorSubcoreMesh(core_axis_name="c", subcore_axis_name="s")
    chunks_per_tile = acc_rows // CH // NS
    slab = acc_rows // NS

    @functools.partial(
        pl.kernel,
        out_type=jax.ShapeDtypeStruct((NC, acc_rows, d_out), jnp.float32),
        mesh=mesh,
        scratch_types=[
            pltpu.VMEM((n_ch, CH), jnp.int32),
            pltpu.VMEM((n_ch, CH), jnp.int32),
            pltpu.VMEM((CH, d_out), jnp.float32),
            pltpu.VMEM((CH, d_out), jnp.float32),
            pltpu.VMEM_SHARED((acc_rows, d_out), jnp.float32),
            pltpu.SemaphoreType.DMA,
            pltpu.SemaphoreType.DMA,
            pltpu.SemaphoreType.DMA,
        ],
    )
    def scatter_kernel(yflat, inidx_hbm, outidx_hbm, part_out,
                       inidx_v, outidx_v, rows_v, rows_b, acc,
                       sem, sem_b, sem_i):
        cid = lax.axis_index("c")
        sid = lax.axis_index("s")
        w = cid * NS + sid

        pltpu.async_copy(inidx_hbm.at[w], inidx_v, sem_i)
        pltpu.async_copy(outidx_hbm.at[w], outidx_v, sem_i)

        def zbody(i, carry):
            for jj in range(d_out // 16):
                rows_v[i, pl.ds(jj * 16, 16)] = jnp.zeros((16,), jnp.float32)
            return carry
        lax.fori_loop(0, CH, zbody, 0)
        for i in range(chunks_per_tile):
            pltpu.async_copy(
                rows_v, acc.at[pl.ds((sid * chunks_per_tile + i) * CH, CH)], sem)
        for i in range(chunks_per_tile):
            pltpu.make_async_copy(
                rows_v, acc.at[pl.ds((sid * chunks_per_tile + i) * CH, CH)], sem).wait()
        pltpu.make_async_copy(inidx_hbm.at[w], inidx_v, sem_i).wait()
        pltpu.make_async_copy(outidx_hbm.at[w], outidx_v, sem_i).wait()
        pltpu.async_copy(yflat.at[inidx_v.at[0]], rows_v, sem)
        plsc.subcore_barrier()

        def pair(p, carry):
            j0 = 2 * p
            j1 = 2 * p + 1
            pltpu.make_async_copy(yflat.at[inidx_v.at[j0]], rows_v, sem).wait()
            pltpu.async_copy(yflat.at[inidx_v.at[j1]], rows_b, sem_b)
            pltpu.sync_copy(rows_v, acc.at[outidx_v.at[j0]], add=True)
            pltpu.make_async_copy(yflat.at[inidx_v.at[j1]], rows_b, sem_b).wait()

            @pl.when(j1 + 1 < n_ch)
            def _():
                pltpu.async_copy(yflat.at[inidx_v.at[j1 + 1]], rows_v, sem)

            pltpu.sync_copy(rows_b, acc.at[outidx_v.at[j1]], add=True)
            return carry
        lax.fori_loop(0, n_ch // 2, pair, 0)
        plsc.subcore_barrier()

        pltpu.sync_copy(acc.at[pl.ds(sid * slab, slab)],
                        part_out.at[cid, pl.ds(sid * slab, slab)])

    return scatter_kernel


def kernel(x_data, rules, rules_count, weights, bias):
    n = x_data.shape[0]
    d_in = x_data.shape[1]
    k3 = weights.shape[0]
    d_out = weights.shape[2]
    r = rules.shape[0]

    if k3 == 27 and r % k3 == 0:
        sizes = [4, 11, 12]
    else:
        sizes = [k3]
    seg = r // k3

    nw = NC * NS
    acc_rows = -(-(n + 1) // (CH * NS)) * (CH * NS)
    n_dump = acc_rows - n

    blk = 5000 if n % 5000 == 0 else 2000
    nb = n // blk
    bm = n if n * d_out * 4 <= 8 * 2**20 else blk
    nbm = n // bm
    xb = x_data.astype(jnp.bfloat16)
    wb = weights.astype(jnp.bfloat16)

    partials = []
    k0 = 0
    tok = None
    for ks in sizes:
        rs = ks * seg
        per_w = -(-rs // nw)
        n_ch = -(-per_w // (2 * CH)) * 2
        rpad = nw * n_ch * CH
        pad = rpad - rs
        pad_in = jnp.arange(pad, dtype=jnp.int32) % n
        pad_out = n + (jnp.arange(pad, dtype=jnp.int32) % n_dump)

        wsl = lax.slice_in_dim(wb, k0, k0 + ks, axis=0)
        if tok is not None:
            wsl = wsl + tok
        y = pl.pallas_call(
            _matmul_body,
            grid=(nbm, ks),
            in_specs=[
                pl.BlockSpec((bm, d_in), lambda j, k: (j, 0)),
                pl.BlockSpec((1, d_in, d_out), lambda j, k: (k, 0, 0)),
            ],
            out_specs=pl.BlockSpec((1, bm, d_out), lambda j, k: (k, j, 0)),
            out_shape=jax.ShapeDtypeStruct((ks, n, d_out), jnp.float32),
        )(xb, wsl)
        tok = lax.squeeze(
            lax.slice(y, (0, 0, 0), (1, 1, 1)), (0, 1, 2)
        ).astype(jnp.bfloat16) * jnp.bfloat16(0)
        y_flat = y.reshape(ks * n, d_out)

        rsl = lax.slice_in_dim(rules, k0 * seg, (k0 + ks) * seg, axis=0)
        flat_in = rsl[:, 1] + jnp.repeat(
            jnp.arange(ks, dtype=jnp.int32) * n, seg)
        in_idx = jnp.concatenate([flat_in, pad_in]).reshape(nw, n_ch, CH)
        out_idx = jnp.concatenate([rsl[:, 2], pad_out]).reshape(nw, n_ch, CH)

        scatter = _make_scatter_kernel(n_ch, acc_rows, d_out)
        partials.append(scatter(y_flat, in_idx, out_idx))
        k0 += ks

    pspec = pl.BlockSpec((NC, blk, d_out), lambda j: (0, j, 0))
    ospec = pl.BlockSpec((blk, d_out), lambda j: (j, 0))
    oshape = jax.ShapeDtypeStruct((n, d_out), jnp.float32)
    if len(partials) >= 2:
        acc = pl.pallas_call(
            _combine2_body,
            grid=(nb,),
            in_specs=[pspec, pspec],
            out_specs=ospec,
            out_shape=oshape,
        )(partials[0], partials[1])
        for p in partials[2:-1]:
            acc = pl.pallas_call(
                _add2_body,
                grid=(nb,),
                in_specs=[ospec, pspec],
                out_specs=ospec,
                out_shape=oshape,
            )(acc, p)
    else:
        acc = jnp.zeros((n, d_out), jnp.float32)
    out = pl.pallas_call(
        _final_body,
        grid=(nb,),
        in_specs=[ospec, pspec, pl.BlockSpec((1, d_out), lambda j: (0, 0))],
        out_specs=ospec,
        out_shape=oshape,
    )(acc, partials[-1], bias.reshape(1, d_out))
    return out

# --- scband reference (transcript-rebuilt; emitter-appended) ---
"""Pipeline reference for scband-sparse-conv3d-in-place-autograd-88373247082542 (READ-ONLY COPY).

The authoritative reference and input builder live on the scoring server;
editing this copy changes nothing except your own understanding.
"""

import jax, jax.numpy as jnp
import numpy as np

K3 = 27
N_NODES = 10000
R_PER_K = 12000
D_IN = 128
D_OUT = 128


def setup_inputs(seed: int = 0) -> dict:
    key = jax.random.key(seed)
    k1, k2, k3, k4 = jax.random.split(key, 4)
    x_data = jax.random.normal(k1, (N_NODES, D_IN), dtype=jnp.float32)
    # rulebook: column 0 = kernel offset id (sorted so each segment shares one kernel),
    # column 1 = input row index, column 2 = output row index (in-place conv: same coord set)
    kern_col = jnp.repeat(jnp.arange(K3, dtype=jnp.int32), R_PER_K)
    in_inds = jax.random.randint(k2, (K3 * R_PER_K,), 0, N_NODES, dtype=jnp.int32)
    out_inds = jax.random.randint(k3, (K3 * R_PER_K,), 0, N_NODES, dtype=jnp.int32)
    rules = jnp.stack([kern_col, in_inds, out_inds], axis=1)
    # rules_count with leading 0 so cumsum yields segment boundaries (len = K3+1)
    rules_count = jnp.concatenate([jnp.zeros((1,), jnp.int32), jnp.full((K3,), R_PER_K, jnp.int32)])
    # kaiming_normal_ fan_out, relu: std = sqrt(2 / fan_out)
    weights = jax.random.normal(k4, (K3, D_IN, D_OUT), dtype=jnp.float32) * np.sqrt(2.0 / D_OUT)
    bias = jnp.zeros((D_OUT,), dtype=jnp.float32)
    return {"x_data": x_data, "rules": rules, "rules_count": rules_count, "weights": weights, "bias": bias}


def reference(x_data, rules, rules_count, weights, bias):
    n_seg = rules_count.shape[0] - 1
    seg_len = rules.shape[0] // n_seg
    x_out = jnp.zeros((x_data.shape[0], weights.shape[2]), dtype=x_data.dtype)
    for i in range(n_seg):
        s = i * seg_len
        e = s + seg_len
        if e - s == 0:
            continue
        k = rules[s, 0]
        in_inds = rules[s:e, 1]
        out_inds = rules[s:e, 2]
        in_vals = jnp.take(x_data, in_inds, axis=0)
        x_mat = jnp.matmul(in_vals, jnp.take(weights, k, axis=0))
        x_out = x_out.at[out_inds].add(x_mat)
    x_out = x_out + bias[None, :]
    return x_out

if __name__ == "__main__":
    import jax
    _d = setup_inputs()
    print(jax.jit(kernel)(*tuple(_d.values())))

</pallas_src>

<mosaic_0001>
#map = affine_map<(d0, d1) -> (0, 0)>
#map1 = affine_map<(d0, d1) -> (0, 0, 0)>
module attributes {stable_mosaic.version = 14 : i64} {
  func.func @scatter_kernel(%arg0: i32, %arg1: i32, %arg2: memref<110000x128xf32, #tpu.memory_space<hbm>>, %arg3: memref<32x34x128xi32, #tpu.memory_space<hbm>>, %arg4: memref<32x34x128xi32, #tpu.memory_space<hbm>>, %arg5: memref<2x10240x128xf32, #tpu.memory_space<hbm>>, %arg6: memref<34x128xi32, #tpu.memory_space<vmem>>, %arg7: memref<34x128xi32, #tpu.memory_space<vmem>>, %arg8: memref<128x128xf32, #tpu.memory_space<vmem>>, %arg9: memref<128x128xf32, #tpu.memory_space<vmem>>, %arg10: memref<10240x128xf32, #tpu.memory_space<vmem_shared>>, %arg11: memref<!tpu.dma_semaphore, #tpu.memory_space<semaphore_mem>>, %arg12: memref<!tpu.dma_semaphore, #tpu.memory_space<semaphore_mem>>, %arg13: memref<!tpu.dma_semaphore, #tpu.memory_space<semaphore_mem>>) attributes {dimension_semantics = [#tpu.dimension_semantics<core_parallel>, #tpu.dimension_semantics<subcore_parallel>], iteration_bounds = array<i64: 2, 16>, scalar_prefetch = 0 : i64, scratch_operands = 8 : i64, tpu.core_type = #tpu.core_type<sc_vector_subcore>, window_params = [{transform_indices = #map}, {transform_indices = #map1}, {transform_indices = #map1}, {transform_indices = #map1}]} {
    %mul3A = arith.constant 16 : i32
    %mul3A_0 = arith.muli %arg0, %mul3A : i32
    %add3A = arith.addi %mul3A_0, %arg1 : i32
    %dma_start3A = arith.constant 0 : i32
    %dma_start3A_1 = arith.constant 0 : i32
    %dma_start3A_2 = tpu.memref_slice %arg3[%add3A, %dma_start3A, %dma_start3A_1] : memref<32x34x128xi32, #tpu.memory_space<hbm>> -> memref<1x34x128xi32, #tpu.memory_space<hbm>>
    %dma_start3A_3 = tpu.memref_squeeze %dma_start3A_2 : memref<1x34x128xi32, #tpu.memory_space<hbm>> -> memref<34x128xi32, #tpu.memory_space<hbm>>
    %dma_start3A_4 = arith.constant 0 : i32
    %dma_start3A_5 = arith.constant 0 : i32
    %dma_start3A_6 = tpu.memref_slice %arg3[%add3A, %dma_start3A_4, %dma_start3A_5] : memref<32x34x128xi32, #tpu.memory_space<hbm>> -> memref<1x34x128xi32, #tpu.memory_space<hbm>>
    %dma_start3A_7 = tpu.memref_squeeze %dma_start3A_6 : memref<1x34x128xi32, #tpu.memory_space<hbm>> -> memref<34x128xi32, #tpu.memory_space<hbm>>
    tpu.enqueue_dma source(%dma_start3A_7 : memref<34x128xi32, #tpu.memory_space<hbm>>) target(%arg6 : memref<34x128xi32, #tpu.memory_space<vmem>>) target_semaphore(%arg13 : memref<!tpu.dma_semaphore, #tpu.memory_space<semaphore_mem>>)
    %dma_start3A_8 = arith.constant 0 : i32
    %dma_start3A_9 = arith.constant 0 : i32
    %dma_start3A_10 = tpu.memref_slice %arg4[%add3A, %dma_start3A_8, %dma_start3A_9] : memref<32x34x128xi32, #tpu.memory_space<hbm>> -> memref<1x34x128xi32, #tpu.memory_space<hbm>>
    %dma_start3A_11 = tpu.memref_squeeze %dma_start3A_10 : memref<1x34x128xi32, #tpu.memory_space<hbm>> -> memref<34x128xi32, #tpu.memory_space<hbm>>
    %dma_start3A_12 = arith.constant 0 : i32
    %dma_start3A_13 = arith.constant 0 : i32
    %dma_start3A_14 = tpu.memref_slice %arg4[%add3A, %dma_start3A_12, %dma_start3A_13] : memref<32x34x128xi32, #tpu.memory_space<hbm>> -> memref<1x34x128xi32, #tpu.memory_space<hbm>>
    %dma_start3A_15 = tpu.memref_squeeze %dma_start3A_14 : memref<1x34x128xi32, #tpu.memory_space<hbm>> -> memref<34x128xi32, #tpu.memory_space<hbm>>
    tpu.enqueue_dma source(%dma_start3A_15 : memref<34x128xi32, #tpu.memory_space<hbm>>) target(%arg7 : memref<34x128xi32, #tpu.memory_space<vmem>>) target_semaphore(%arg13 : memref<!tpu.dma_semaphore, #tpu.memory_space<semaphore_mem>>)
    %scan3A = arith.constant 0 : i32
    %scan3A_16 = arith.constant 0 : i32
    %scan3A_17 = arith.constant 128 : i32
    %scan3A_18 = arith.addi %scan3A_16, %scan3A_17 : i32
    %scan3A_19 = arith.constant 1 : i32
    scf.for %scan3A_154 = %scan3A_16 to %scan3A_18 step %scan3A_19  : i32 {
      %broadcast_in_dim3A = arith.constant 0.000000e+00 : f32
      %broadcast_in_dim3A_155 = vector.broadcast %broadcast_in_dim3A : f32 to vector<16xf32>
      %swap3A = arith.index_cast %scan3A_154 : i32 to index
      %swap3A_156 = arith.constant 0 : index
      %swap3A_157 = tpu.vector_load %arg8[%swap3A, %swap3A_156] {strides = array<i32>} : memref<128x128xf32, #tpu.memory_space<vmem>>, vector<1x16xf32>,
      %swap3A_158 = vector.shape_cast %swap3A_157 : vector<1x16xf32> to vector<16xf32>
      %swap3A_159 = vector.shape_cast %broadcast_in_dim3A_155 : vector<16xf32> to vector<1x16xf32>
      tpu.vector_store %arg8[%swap3A, %swap3A_156], %swap3A_159 {strides = array<i32>} : memref<128x128xf32, #tpu.memory_space<vmem>>, vector<1x16xf32>,
      %broadcast_in_dim3A_160 = arith.constant 0.000000e+00 : f32
      %broadcast_in_dim3A_161 = vector.broadcast %broadcast_in_dim3A_160 : f32 to vector<16xf32>
      %swap3A_162 = arith.index_cast %scan3A_154 : i32 to index
      %swap3A_163 = arith.constant 16 : index
      %swap3A_164 = tpu.vector_load %arg8[%swap3A_162, %swap3A_163] {strides = array<i32>} : memref<128x128xf32, #tpu.memory_space<vmem>>, vector<1x16xf32>,
      %swap3A_165 = vector.shape_cast %swap3A_164 : vector<1x16xf32> to vector<16xf32>
      %swap3A_166 = vector.shape_cast %broadcast_in_dim3A_161 : vector<16xf32> to vector<1x16xf32>
      tpu.vector_store %arg8[%swap3A_162, %swap3A_163], %swap3A_166 {strides = array<i32>} : memref<128x128xf32, #tpu.memory_space<vmem>>, vector<1x16xf32>,
      %broadcast_in_dim3A_167 = arith.constant 0.000000e+00 : f32
      %broadcast_in_dim3A_168 = vector.broadcast %broadcast_in_dim3A_167 : f32 to vector<16xf32>
      %swap3A_169 = arith.index_cast %scan3A_154 : i32 to index
      %swap3A_170 = arith.constant 32 : index
      %swap3A_171 = tpu.vector_load %arg8[%swap3A_169, %swap3A_170] {strides = array<i32>} : memref<128x128xf32, #tpu.memory_space<vmem>>, vector<1x16xf32>,
      %swap3A_172 = vector.shape_cast %swap3A_171 : vector<1x16xf32> to vector<16xf32>
      %swap3A_173 = vector.shape_cast %broadcast_in_dim3A_168 : vector<16xf32> to vector<1x16xf32>
      tpu.vector_store %arg8[%swap3A_169, %swap3A_170], %swap3A_173 {strides = array<i32>} : memref<128x128xf32, #tpu.memory_space<vmem>>, vector<1x16xf32>,
      %broadcast_in_dim3A_174 = arith.constant 0.000000e+00 : f32
      %broadcast_in_dim3A_175 = vector.broadcast %broadcast_in_dim3A_174 : f32 to vector<16xf32>
      %swap3A_176 = arith.index_cast %scan3A_154 : i32 to index
      %swap3A_177 = arith.constant 48 : index
      %swap3A_178 = tpu.vector_load %arg8[%swap3A_176, %swap3A_177] {strides = array<i32>} : memref<128x128xf32, #tpu.memory_space<vmem>>, vector<1x16xf32>,
      %swap3A_179 = vector.shape_cast %swap3A_178 : vector<1x16xf32> to vector<16xf32>
      %swap3A_180 = vector.shape_cast %broadcast_in_dim3A_175 : vector<16xf32> to vector<1x16xf32>
      tpu.vector_store %arg8[%swap3A_176, %swap3A_177], %swap3A_180 {strides = array<i32>} : memref<128x128xf32, #tpu.memory_space<vmem>>, vector<1x16xf32>,
      %broadcast_in_dim3A_181 = arith.constant 0.000000e+00 : f32
      %broadcast_in_dim3A_182 = vector.broadcast %broadcast_in_dim3A_181 : f32 to vector<16xf32>
      %swap3A_183 = arith.index_cast %scan3A_154 : i32 to index
      %swap3A_184 = arith.constant 64 : index
      %swap3A_185 = tpu.vector_load %arg8[%swap3A_183, %swap3A_184] {strides = array<i32>} : memref<128x128xf32, #tpu.memory_space<vmem>>, vector<1x16xf32>,
      %swap3A_186 = vector.shape_cast %swap3A_185 : vector<1x16xf32> to vector<16xf32>
      %swap3A_187 = vector.shape_cast %broadcast_in_dim3A_182 : vector<16xf32> to vector<1x16xf32>
      tpu.vector_store %arg8[%swap3A_183, %swap3A_184], %swap3A_187 {strides = array<i32>} : memref<128x128xf32, #tpu.memory_space<vmem>>, vector<1x16xf32>,
      %broadcast_in_dim3A_188 = arith.constant 0.000000e+00 : f32
      %broadcast_in_dim3A_189 = vector.broadcast %broadcast_in_dim3A_188 : f32 to vector<16xf32>
      %swap3A_190 = arith.index_cast %scan3A_154 : i32 to index
      %swap3A_191 = arith.constant 80 : index
      %swap3A_192 = tpu.vector_load %arg8[%swap3A_190, %swap3A_191] {strides = array<i32>} : memref<128x128xf32, #tpu.memory_space<vmem>>, vector<1x16xf32>,
      %swap3A_193 = vector.shape_cast %swap3A_192 : vector<1x16xf32> to vector<16xf32>
      %swap3A_194 = vector.shape_cast %broadcast_in_dim3A_189 : vector<16xf32> to vector<1x16xf32>
      tpu.vector_store %arg8[%swap3A_190, %swap3A_191], %swap3A_194 {strides = array<i32>} : memref<128x128xf32, #tpu.memory_space<vmem>>, vector<1x16xf32>,
      %broadcast_in_dim3A_195 = arith.constant 0.000000e+00 : f32
      %broadcast_in_dim3A_196 = vector.broadcast %broadcast_in_dim3A_195 : f32 to vector<16xf32>
      %swap3A_197 = arith.index_cast %scan3A_154 : i32 to index
      %swap3A_198 = arith.constant 96 : index
      %swap3A_199 = tpu.vector_load %arg8[%swap3A_197, %swap3A_198] {strides = array<i32>} : memref<128x128xf32, #tpu.memory_space<vmem>>, vector<1x16xf32>,
      %swap3A_200 = vector.shape_cast %swap3A_199 : vector<1x16xf32> to vector<16xf32>
      %swap3A_201 = vector.shape_cast %broadcast_in_dim3A_196 : vector<16xf32> to vector<1x16xf32>
      tpu.vector_store %arg8[%swap3A_197, %swap3A_198], %swap3A_201 {strides = array<i32>} : memref<128x128xf32, #tpu.memory_space<vmem>>, vector<1x16xf32>,
      %broadcast_in_dim3A_202 = arith.constant 0.000000e+00 : f32
      %broadcast_in_dim3A_203 = vector.broadcast %broadcast_in_dim3A_202 : f32 to vector<16xf32>
      %swap3A_204 = arith.index_cast %scan3A_154 : i32 to index
      %swap3A_205 = arith.constant 112 : index
      %swap3A_206 = tpu.vector_load %arg8[%swap3A_204, %swap3A_205] {strides = array<i32>} : memref<128x128xf32, #tpu.memory_space<vmem>>, vector<1x16xf32>,
      %swap3A_207 = vector.shape_cast %swap3A_206 : vector<1x16xf32> to vector<16xf32>
      %swap3A_208 = vector.shape_cast %broadcast_in_dim3A_203 : vector<16xf32> to vector<1x16xf32>
      tpu.vector_store %arg8[%swap3A_204, %swap3A_205], %swap3A_208 {strides = array<i32>} : memref<128x128xf32, #tpu.memory_space<vmem>>, vector<1x16xf32>,
    }
    %scan3A_20 = arith.constant 128 : i32
    %mul3A_21 = arith.constant 5 : i32
    %mul3A_22 = arith.muli %arg1, %mul3A_21 : i32
    %add3A_23 = arith.constant 0 : i32
    %add3A_24 = arith.addi %mul3A_22, %add3A_23 : i32
    %mul3A_25 = arith.constant 128 : i32
    %mul3A_26 = arith.muli %add3A_24, %mul3A_25 : i32
    %dma_start3A_27 = arith.constant 0 : i32
    %dma_start3A_28 = tpu.memref_slice %arg10[%mul3A_26, %dma_start3A_27] : memref<10240x128xf32, #tpu.memory_space<vmem_shared>> -> memref<128x128xf32, #tpu.memory_space<vmem_shared>>
    %dma_start3A_29 = arith.constant 0 : i32
    %dma_start3A_30 = tpu.memref_slice %arg10[%mul3A_26, %dma_start3A_29] : memref<10240x128xf32, #tpu.memory_space<vmem_shared>> -> memref<128x128xf32, #tpu.memory_space<vmem_shared>>
    tpu.enqueue_dma source(%arg8 : memref<128x128xf32, #tpu.memory_space<vmem>>) target(%dma_start3A_30 : memref<128x128xf32, #tpu.memory_space<vmem_shared>>) target_semaphore(%arg11 : memref<!tpu.dma_semaphore, #tpu.memory_space<semaphore_mem>>)
    %mul3A_31 = arith.constant 5 : i32
    %mul3A_32 = arith.muli %arg1, %mul3A_31 : i32
    %add3A_33 = arith.constant 1 : i32
    %add3A_34 = arith.addi %mul3A_32, %add3A_33 : i32
    %mul3A_35 = arith.constant 128 : i32
    %mul3A_36 = arith.muli %add3A_34, %mul3A_35 : i32
    %dma_start3A_37 = arith.constant 0 : i32
    %dma_start3A_38 = tpu.memref_slice %arg10[%mul3A_36, %dma_start3A_37] : memref<10240x128xf32, #tpu.memory_space<vmem_shared>> -> memref<128x128xf32, #tpu.memory_space<vmem_shared>>
    %dma_start3A_39 = arith.constant 0 : i32
    %dma_start3A_40 = tpu.memref_slice %arg10[%mul3A_36, %dma_start3A_39] : memref<10240x128xf32, #tpu.memory_space<vmem_shared>> -> memref<128x128xf32, #tpu.memory_space<vmem_shared>>
    tpu.enqueue_dma source(%arg8 : memref<128x128xf32, #tpu.memory_space<vmem>>) target(%dma_start3A_40 : memref<128x128xf32, #tpu.memory_space<vmem_shared>>) target_semaphore(%arg11 : memref<!tpu.dma_semaphore, #tpu.memory_space<semaphore_mem>>)
    %mul3A_41 = arith.constant 5 : i32
    %mul3A_42 = arith.muli %arg1, %mul3A_41 : i32
    %add3A_43 = arith.constant 2 : i32
    %add3A_44 = arith.addi %mul3A_42, %add3A_43 : i32
    %mul3A_45 = arith.constant 128 : i32
    %mul3A_46 = arith.muli %add3A_44, %mul3A_45 : i32
    %dma_start3A_47 = arith.constant 0 : i32
    %dma_start3A_48 = tpu.memref_slice %arg10[%mul3A_46, %dma_start3A_47] : memref<10240x128xf32, #tpu.memory_space<vmem_shared>> -> memref<128x128xf32, #tpu.memory_space<vmem_shared>>
    %dma_start3A_49 = arith.constant 0 : i32
    %dma_start3A_50 = tpu.memref_slice %arg10[%mul3A_46, %dma_start3A_49] : memref<10240x128xf32, #tpu.memory_space<vmem_shared>> -> memref<128x128xf32, #tpu.memory_space<vmem_shared>>
    tpu.enqueue_dma source(%arg8 : memref<128x128xf32, #tpu.memory_space<vmem>>) target(%dma_start3A_50 : memref<128x128xf32, #tpu.memory_space<vmem_shared>>) target_semaphore(%arg11 : memref<!tpu.dma_semaphore, #tpu.memory_space<semaphore_mem>>)
    %mul3A_51 = arith.constant 5 : i32
    %mul3A_52 = arith.muli %arg1, %mul3A_51 : i32
    %add3A_53 = arith.constant 3 : i32
    %add3A_54 = arith.addi %mul3A_52, %add3A_53 : i32
    %mul3A_55 = arith.constant 128 : i32
    %mul3A_56 = arith.muli %add3A_54, %mul3A_55 : i32
    %dma_start3A_57 = arith.constant 0 : i32
    %dma_start3A_58 = tpu.memref_slice %arg10[%mul3A_56, %dma_start3A_57] : memref<10240x128xf32, #tpu.memory_space<vmem_shared>> -> memref<128x128xf32, #tpu.memory_space<vmem_shared>>
    %dma_start3A_59 = arith.constant 0 : i32
    %dma_start3A_60 = tpu.memref_slice %arg10[%mul3A_56, %dma_start3A_59] : memref<10240x128xf32, #tpu.memory_space<vmem_shared>> -> memref<128x128xf32, #tpu.memory_space<vmem_shared>>
    tpu.enqueue_dma source(%arg8 : memref<128x128xf32, #tpu.memory_space<vmem>>) target(%dma_start3A_60 : memref<128x128xf32, #tpu.memory_space<vmem_shared>>) target_semaphore(%arg11 : memref<!tpu.dma_semaphore, #tpu.memory_space<semaphore_mem>>)
    %mul3A_61 = arith.constant 5 : i32
    %mul3A_62 = arith.muli %arg1, %mul3A_61 : i32
    %add3A_63 = arith.constant 4 : i32
    %add3A_64 = arith.addi %mul3A_62, %add3A_63 : i32
    %mul3A_65 = arith.constant 128 : i32
    %mul3A_66 = arith.muli %add3A_64, %mul3A_65 : i32
    %dma_start3A_67 = arith.constant 0 : i32
    %dma_start3A_68 = tpu.memref_slice %arg10[%mul3A_66, %dma_start3A_67] : memref<10240x128xf32, #tpu.memory_space<vmem_shared>> -> memref<128x128xf32, #tpu.memory_space<vmem_shared>>
    %dma_start3A_69 = arith.constant 0 : i32
    %dma_start3A_70 = tpu.memref_slice %arg10[%mul3A_66, %dma_start3A_69] : memref<10240x128xf32, #tpu.memory_space<vmem_shared>> -> memref<128x128xf32, #tpu.memory_space<vmem_shared>>
    tpu.enqueue_dma source(%arg8 : memref<128x128xf32, #tpu.memory_space<vmem>>) target(%dma_start3A_70 : memref<128x128xf32, #tpu.memory_space<vmem_shared>>) target_semaphore(%arg11 : memref<!tpu.dma_semaphore, #tpu.memory_space<semaphore_mem>>)
    %mul3A_71 = arith.constant 5 : i32
    %mul3A_72 = arith.muli %arg1, %mul3A_71 : i32
    %add3A_73 = arith.constant 0 : i32
    %add3A_74 = arith.addi %mul3A_72, %add3A_73 : i32
    %mul3A_75 = arith.constant 128 : i32
    %mul3A_76 = arith.muli %add3A_74, %mul3A_75 : i32
    %dma_wait3A = arith.constant 0 : i32
    %dma_wait3A_77 = tpu.memref_slice %arg10[%mul3A_76, %dma_wait3A] : memref<10240x128xf32, #tpu.memory_space<vmem_shared>> -> memref<128x128xf32, #tpu.memory_space<vmem_shared>>
    %dma_wait3A_78 = arith.constant 0 : i32
    %dma_wait3A_79 = tpu.memref_slice %arg10[%mul3A_76, %dma_wait3A_78] : memref<10240x128xf32, #tpu.memory_space<vmem_shared>> -> memref<128x128xf32, #tpu.memory_space<vmem_shared>>
    tpu.wait_dma2 semaphore(%arg11 : memref<!tpu.dma_semaphore, #tpu.memory_space<semaphore_mem>>) src(%arg8 : memref<128x128xf32, #tpu.memory_space<vmem>>) dst(%dma_wait3A_79 : memref<128x128xf32, #tpu.memory_space<vmem_shared>>)
    %mul3A_80 = arith.constant 5 : i32
    %mul3A_81 = arith.muli %arg1, %mul3A_80 : i32
    %add3A_82 = arith.constant 1 : i32
    %add3A_83 = arith.addi %mul3A_81, %add3A_82 : i32
    %mul3A_84 = arith.constant 128 : i32
    %mul3A_85 = arith.muli %add3A_83, %mul3A_84 : i32
    %dma_wait3A_86 = arith.constant 0 : i32
    %dma_wait3A_87 = tpu.memref_slice %arg10[%mul3A_85, %dma_wait3A_86] : memref<10240x128xf32, #tpu.memory_space<vmem_shared>> -> memref<128x128xf32, #tpu.memory_space<vmem_shared>>
    %dma_wait3A_88 = arith.constant 0 : i32
    %dma_wait3A_89 = tpu.memref_slice %arg10[%mul3A_85, %dma_wait3A_88] : memref<10240x128xf32, #tpu.memory_space<vmem_shared>> -> memref<128x128xf32, #tpu.memory_space<vmem_shared>>
    tpu.wait_dma2 semaphore(%arg11 : memref<!tpu.dma_semaphore, #tpu.memory_space<semaphore_mem>>) src(%arg8 : memref<128x128xf32, #tpu.memory_space<vmem>>) dst(%dma_wait3A_89 : memref<128x128xf32, #tpu.memory_space<vmem_shared>>)
    %mul3A_90 = arith.constant 5 : i32
    %mul3A_91 = arith.muli %arg1, %mul3A_90 : i32
    %add3A_92 = arith.constant 2 : i32
    %add3A_93 = arith.addi %mul3A_91, %add3A_92 : i32
    %mul3A_94 = arith.constant 128 : i32
    %mul3A_95 = arith.muli %add3A_93, %mul3A_94 : i32
    %dma_wait3A_96 = arith.constant 0 : i32
    %dma_wait3A_97 = tpu.memref_slice %arg10[%mul3A_95, %dma_wait3A_96] : memref<10240x128xf32, #tpu.memory_space<vmem_shared>> -> memref<128x128xf32, #tpu.memory_space<vmem_shared>>
    %dma_wait3A_98 = arith.constant 0 : i32
    %dma_wait3A_99 = tpu.memref_slice %arg10[%mul3A_95, %dma_wait3A_98] : memref<10240x128xf32, #tpu.memory_space<vmem_shared>> -> memref<128x128xf32, #tpu.memory_space<vmem_shared>>
    tpu.wait_dma2 semaphore(%arg11 : memref<!tpu.dma_semaphore, #tpu.memory_space<semaphore_mem>>) src(%arg8 : memref<128x128xf32, #tpu.memory_space<vmem>>) dst(%dma_wait3A_99 : memref<128x128xf32, #tpu.memory_space<vmem_shared>>)
    %mul3A_100 = arith.constant 5 : i32
    %mul3A_101 = arith.muli %arg1, %mul3A_100 : i32
    %add3A_102 = arith.constant 3 : i32
    %add3A_103 = arith.addi %mul3A_101, %add3A_102 : i32
    %mul3A_104 = arith.constant 128 : i32
    %mul3A_105 = arith.muli %add3A_103, %mul3A_104 : i32
    %dma_wait3A_106 = arith.constant 0 : i32
    %dma_wait3A_107 = tpu.memref_slice %arg10[%mul3A_105, %dma_wait3A_106] : memref<10240x128xf32, #tpu.memory_space<vmem_shared>> -> memref<128x128xf32, #tpu.memory_space<vmem_shared>>
    %dma_wait3A_108 = arith.constant 0 : i32
    %dma_wait3A_109 = tpu.memref_slice %arg10[%mul3A_105, %dma_wait3A_108] : memref<10240x128xf32, #tpu.memory_space<vmem_shared>> -> memref<128x128xf32, #tpu.memory_space<vmem_shared>>
    tpu.wait_dma2 semaphore(%arg11 : memref<!tpu.dma_semaphore, #tpu.memory_space<semaphore_mem>>) src(%arg8 : memref<128x128xf32, #tpu.memory_space<vmem>>) dst(%dma_wait3A_109 : memref<128x128xf32, #tpu.memory_space<vmem_shared>>)
    %mul3A_110 = arith.constant 5 : i32
    %mul3A_111 = arith.muli %arg1, %mul3A_110 : i32
    %add3A_112 = arith.constant 4 : i32
    %add3A_113 = arith.addi %mul3A_111, %add3A_112 : i32
    %mul3A_114 = arith.constant 128 : i32
    %mul3A_115 = arith.muli %add3A_113, %mul3A_114 : i32
    %dma_wait3A_116 = arith.constant 0 : i32
    %dma_wait3A_117 = tpu.memref_slice %arg10[%mul3A_115, %dma_wait3A_116] : memref<10240x128xf32, #tpu.memory_space<vmem_shared>> -> memref<128x128xf32, #tpu.memory_space<vmem_shared>>
    %dma_wait3A_118 = arith.constant 0 : i32
    %dma_wait3A_119 = tpu.memref_slice %arg10[%mul3A_115, %dma_wait3A_118] : memref<10240x128xf32, #tpu.memory_space<vmem_shared>> -> memref<128x128xf32, #tpu.memory_space<vmem_shared>>
    tpu.wait_dma2 semaphore(%arg11 : memref<!tpu.dma_semaphore, #tpu.memory_space<semaphore_mem>>) src(%arg8 : memref<128x128xf32, #tpu.memory_space<vmem>>) dst(%dma_wait3A_119 : memref<128x128xf32, #tpu.memory_space<vmem_shared>>)
    %dma_wait3A_120 = arith.constant 0 : i32
    %dma_wait3A_121 = arith.constant 0 : i32
    %dma_wait3A_122 = tpu.memref_slice %arg3[%add3A, %dma_wait3A_120, %dma_wait3A_121] : memref<32x34x128xi32, #tpu.memory_space<hbm>> -> memref<1x34x128xi32, #tpu.memory_space<hbm>>
    %dma_wait3A_123 = tpu.memref_squeeze %dma_wait3A_122 : memref<1x34x128xi32, #tpu.memory_space<hbm>> -> memref<34x128xi32, #tpu.memory_space<hbm>>
    %dma_wait3A_124 = arith.constant 0 : i32
    %dma_wait3A_125 = arith.constant 0 : i32
    %dma_wait3A_126 = tpu.memref_slice %arg3[%add3A, %dma_wait3A_124, %dma_wait3A_125] : memref<32x34x128xi32, #tpu.memory_space<hbm>> -> memref<1x34x128xi32, #tpu.memory_space<hbm>>
    %dma_wait3A_127 = tpu.memref_squeeze %dma_wait3A_126 : memref<1x34x128xi32, #tpu.memory_space<hbm>> -> memref<34x128xi32, #tpu.memory_space<hbm>>
    tpu.wait_dma2 semaphore(%arg13 : memref<!tpu.dma_semaphore, #tpu.memory_space<semaphore_mem>>) src(%dma_wait3A_127 : memref<34x128xi32, #tpu.memory_space<hbm>>) dst(%arg6 : memref<34x128xi32, #tpu.memory_space<vmem>>)
    %dma_wait3A_128 = arith.constant 0 : i32
    %dma_wait3A_129 = arith.constant 0 : i32
    %dma_wait3A_130 = tpu.memref_slice %arg4[%add3A, %dma_wait3A_128, %dma_wait3A_129] : memref<32x34x128xi32, #tpu.memory_space<hbm>> -> memref<1x34x128xi32, #tpu.memory_space<hbm>>
    %dma_wait3A_131 = tpu.memref_squeeze %dma_wait3A_130 : memref<1x34x128xi32, #tpu.memory_space<hbm>> -> memref<34x128xi32, #tpu.memory_space<hbm>>
    %dma_wait3A_132 = arith.constant 0 : i32
    %dma_wait3A_133 = arith.constant 0 : i32
    %dma_wait3A_134 = tpu.memref_slice %arg4[%add3A, %dma_wait3A_132, %dma_wait3A_133] : memref<32x34x128xi32, #tpu.memory_space<hbm>> -> memref<1x34x128xi32, #tpu.memory_space<hbm>>
    %dma_wait3A_135 = tpu.memref_squeeze %dma_wait3A_134 : memref<1x34x128xi32, #tpu.memory_space<hbm>> -> memref<34x128xi32, #tpu.memory_space<hbm>>
    tpu.wait_dma2 semaphore(%arg13 : memref<!tpu.dma_semaphore, #tpu.memory_space<semaphore_mem>>) src(%dma_wait3A_135 : memref<34x128xi32, #tpu.memory_space<hbm>>) dst(%arg7 : memref<34x128xi32, #tpu.memory_space<vmem>>)
    %dma_start3A_136 = arith.constant 0 : i32
    %dma_start3A_137 = arith.constant 0 : i32
    %dma_start3A_138 = tpu.memref_slice %arg6[%dma_start3A_136, %dma_start3A_137] : memref<34x128xi32, #tpu.memory_space<vmem>> -> memref<1x128xi32, #tpu.memory_space<vmem>>
    %dma_start3A_139 = tpu.memref_squeeze %dma_start3A_138 : memref<1x128xi32, #tpu.memory_space<vmem>> -> memref<128xi32, #tpu.memory_space<vmem>>
    %dma_start3A_140 = arith.constant 0 : i32
    %dma_start3A_141 = arith.constant 0 : i32
    %dma_start3A_142 = tpu.memref_slice %arg2[%dma_start3A_140, %dma_start3A_141] : memref<110000x128xf32, #tpu.memory_space<hbm>> -> memref<110000x128xf32, #tpu.memory_space<hbm>>
    tpu.enqueue_indirect_dma source(%dma_start3A_142 : memref<110000x128xf32, #tpu.memory_space<hbm>>) target(%arg8 : memref<128x128xf32, #tpu.memory_space<vmem>>) offsets(%dma_start3A_139 : memref<128xi32, #tpu.memory_space<vmem>>) semaphore(%arg11 : memref<!tpu.dma_semaphore, #tpu.memory_space<semaphore_mem>>)
    %barrier3A = arith.constant 0 : index
    tpu.barrier barrier_id(%barrier3A)
    %scan3A_143 = arith.constant 0 : i32
    %scan3A_144 = arith.constant 0 : i32
    %scan3A_145 = arith.constant 17 : i32
    %scan3A_146 = arith.addi %scan3A_144, %scan3A_145 : i32
    %scan3A_147 = arith.constant 1 : i32
    scf.for %scan3A_154 = %scan3A_144 to %scan3A_146 step %scan3A_147  : i32 {
      %mul3A_155 = arith.constant 2 : i32
      %mul3A_156 = arith.muli %mul3A_155, %scan3A_154 : i32
      %mul3A_157 = arith.constant 2 : i32
      %mul3A_158 = arith.muli %mul3A_157, %scan3A_154 : i32
      %add3A_159 = arith.constant 1 : i32
      %add3A_160 = arith.addi %mul3A_158, %add3A_159 : i32
      %dma_wait3A_161 = arith.constant 0 : i32
      %dma_wait3A_162 = tpu.memref_slice %arg6[%mul3A_156, %dma_wait3A_161] : memref<34x128xi32, #tpu.memory_space<vmem>> -> memref<1x128xi32, #tpu.memory_space<vmem>>
      %dma_wait3A_163 = tpu.memref_squeeze %dma_wait3A_162 : memref<1x128xi32, #tpu.memory_space<vmem>> -> memref<128xi32, #tpu.memory_space<vmem>>
      %dma_wait3A_164 = arith.constant 0 : i32
      %dma_wait3A_165 = arith.constant 0 : i32
      %dma_wait3A_166 = tpu.memref_slice %arg2[%dma_wait3A_164, %dma_wait3A_165] : memref<110000x128xf32, #tpu.memory_space<hbm>> -> memref<110000x128xf32, #tpu.memory_space<hbm>>
      tpu.wait_indirect_dma semaphore(%arg11 : memref<!tpu.dma_semaphore, #tpu.memory_space<semaphore_mem>>) src(%dma_wait3A_166 : memref<110000x128xf32, #tpu.memory_space<hbm>>) dst(%arg8 : memref<128x128xf32, #tpu.memory_space<vmem>>)
      %dma_start3A_167 = arith.constant 0 : i32
      %dma_start3A_168 = tpu.memref_slice %arg6[%add3A_160, %dma_start3A_167] : memref<34x128xi32, #tpu.memory_space<vmem>> -> memref<1x128xi32, #tpu.memory_space<vmem>>
      %dma_start3A_169 = tpu.memref_squeeze %dma_start3A_168 : memref<1x128xi32, #tpu.memory_space<vmem>> -> memref<128xi32, #tpu.memory_space<vmem>>
      %dma_start3A_170 = arith.constant 0 : i32
      %dma_start3A_171 = arith.constant 0 : i32
      %dma_start3A_172 = tpu.memref_slice %arg2[%dma_start3A_170, %dma_start3A_171] : memref<110000x128xf32, #tpu.memory_space<hbm>> -> memref<110000x128xf32, #tpu.memory_space<hbm>>
      tpu.enqueue_indirect_dma source(%dma_start3A_172 : memref<110000x128xf32, #tpu.memory_space<hbm>>) target(%arg9 : memref<128x128xf32, #tpu.memory_space<vmem>>) offsets(%dma_start3A_169 : memref<128xi32, #tpu.memory_space<vmem>>) semaphore(%arg12 : memref<!tpu.dma_semaphore, #tpu.memory_space<semaphore_mem>>)
      "tpu.region"() ({
        %run_scoped3A = tpu.sem_alloc : memref<!tpu.dma_semaphore, #tpu.memory_space<semaphore_mem>>
        %dma_start3A_183 = arith.constant 0 : i32
        %dma_start3A_184 = tpu.memref_slice %arg7[%mul3A_156, %dma_start3A_183] : memref<34x128xi32, #tpu.memory_space<vmem>> -> memref<1x128xi32, #tpu.memory_space<vmem>>
        %dma_start3A_185 = tpu.memref_squeeze %dma_start3A_184 : memref<1x128xi32, #tpu.memory_space<vmem>> -> memref<128xi32, #tpu.memory_space<vmem>>
        %dma_start3A_186 = arith.constant 0 : i32
        %dma_start3A_187 = arith.constant 0 : i32
        %dma_start3A_188 = tpu.memref_slice %arg10[%dma_start3A_186, %dma_start3A_187] : memref<10240x128xf32, #tpu.memory_space<vmem_shared>> -> memref<10240x128xf32, #tpu.memory_space<vmem_shared>>
        tpu.enqueue_indirect_dma source(%arg8 : memref<128x128xf32, #tpu.memory_space<vmem>>) target(%dma_start3A_188 : memref<10240x128xf32, #tpu.memory_space<vmem_shared>>) offsets(%dma_start3A_185 : memref<128xi32, #tpu.memory_space<vmem>>) semaphore(%run_scoped3A : memref<!tpu.dma_semaphore, #tpu.memory_space<semaphore_mem>>) {add = true}
        %dma_wait3A_189 = arith.constant 0 : i32
        %dma_wait3A_190 = tpu.memref_slice %arg7[%mul3A_156, %dma_wait3A_189] : memref<34x128xi32, #tpu.memory_space<vmem>> -> memref<1x128xi32, #tpu.memory_space<vmem>>
        %dma_wait3A_191 = tpu.memref_squeeze %dma_wait3A_190 : memref<1x128xi32, #tpu.memory_space<vmem>> -> memref<128xi32, #tpu.memory_space<vmem>>
        %dma_wait3A_192 = arith.constant 0 : i32
        %dma_wait3A_193 = arith.constant 0 : i32
        %dma_wait3A_194 = tpu.memref_slice %arg10[%dma_wait3A_192, %dma_wait3A_193] : memref<10240x128xf32, #tpu.memory_space<vmem_shared>> -> memref<10240x128xf32, #tpu.memory_space<vmem_shared>>
        tpu.wait_indirect_dma semaphore(%run_scoped3A : memref<!tpu.dma_semaphore, #tpu.memory_space<semaphore_mem>>) src(%arg8 : memref<128x128xf32, #tpu.memory_space<vmem>>) dst(%dma_wait3A_194 : memref<10240x128xf32, #tpu.memory_space<vmem_shared>>)
        tpu.yield
      }) : () -> ()
      %dma_wait3A_173 = arith.constant 0 : i32
      %dma_wait3A_174 = tpu.memref_slice %arg6[%add3A_160, %dma_wait3A_173] : memref<34x128xi32, #tpu.memory_space<vmem>> -> memref<1x128xi32, #tpu.memory_space<vmem>>
      %dma_wait3A_175 = tpu.memref_squeeze %dma_wait3A_174 : memref<1x128xi32, #tpu.memory_space<vmem>> -> memref<128xi32, #tpu.memory_space<vmem>>
      %dma_wait3A_176 = arith.constant 0 : i32
      %dma_wait3A_177 = arith.constant 0 : i32
      %dma_wait3A_178 = tpu.memref_slice %arg2[%dma_wait3A_176, %dma_wait3A_177] : memref<110000x128xf32, #tpu.memory_space<hbm>> -> memref<110000x128xf32, #tpu.memory_space<hbm>>
      tpu.wait_indirect_dma semaphore(%arg12 : memref<!tpu.dma_semaphore, #tpu.memory_space<semaphore_mem>>) src(%dma_wait3A_178 : memref<110000x128xf32, #tpu.memory_space<hbm>>) dst(%arg9 : memref<128x128xf32, #tpu.memory_space<vmem>>)
      %add3A_179 = arith.constant 1 : i32
      %add3A_180 = arith.addi %add3A_160, %add3A_179 : i32
      %lt3A = arith.constant 34 : i32
      %lt3A_181 = arith.cmpi slt, %add3A_180, %lt3A : i32
      %convert_element_type3A = arith.extui %lt3A_181 : i1 to i32
      %cond3A = arith.constant 0 : i32
      %cond3A_182 = arith.cmpi ne, %convert_element_type3A, %cond3A : i32
      scf.if %cond3A_182 {
        %add3A_183 = arith.constant 1 : i32
        %add3A_184 = arith.addi %add3A_160, %add3A_183 : i32
        %dma_start3A_185 = arith.constant 0 : i32
        %dma_start3A_186 = tpu.memref_slice %arg6[%add3A_184, %dma_start3A_185] : memref<34x128xi32, #tpu.memory_space<vmem>> -> memref<1x128xi32, #tpu.memory_space<vmem>>
        %dma_start3A_187 = tpu.memref_squeeze %dma_start3A_186 : memref<1x128xi32, #tpu.memory_space<vmem>> -> memref<128xi32, #tpu.memory_space<vmem>>
        %dma_start3A_188 = arith.constant 0 : i32
        %dma_start3A_189 = arith.constant 0 : i32
        %dma_start3A_190 = tpu.memref_slice %arg2[%dma_start3A_188, %dma_start3A_189] : memref<110000x128xf32, #tpu.memory_space<hbm>> -> memref<110000x128xf32, #tpu.memory_space<hbm>>
        tpu.enqueue_indirect_dma source(%dma_start3A_190 : memref<110000x128xf32, #tpu.memory_space<hbm>>) target(%arg8 : memref<128x128xf32, #tpu.memory_space<vmem>>) offsets(%dma_start3A_187 : memref<128xi32, #tpu.memory_space<vmem>>) semaphore(%arg11 : memref<!tpu.dma_semaphore, #tpu.memory_space<semaphore_mem>>)
      } else {
      }
      "tpu.region"() ({
        %run_scoped3A = tpu.sem_alloc : memref<!tpu.dma_semaphore, #tpu.memory_space<semaphore_mem>>
        %dma_start3A_183 = arith.constant 0 : i32
        %dma_start3A_184 = tpu.memref_slice %arg7[%add3A_160, %dma_start3A_183] : memref<34x128xi32, #tpu.memory_space<vmem>> -> memref<1x128xi32, #tpu.memory_space<vmem>>
        %dma_start3A_185 = tpu.memref_squeeze %dma_start3A_184 : memref<1x128xi32, #tpu.memory_space<vmem>> -> memref<128xi32, #tpu.memory_space<vmem>>
        %dma_start3A_186 = arith.constant 0 : i32
        %dma_start3A_187 = arith.constant 0 : i32
        %dma_start3A_188 = tpu.memref_slice %arg10[%dma_start3A_186, %dma_start3A_187] : memref<10240x128xf32, #tpu.memory_space<vmem_shared>> -> memref<10240x128xf32, #tpu.memory_space<vmem_shared>>
        tpu.enqueue_indirect_dma source(%arg9 : memref<128x128xf32, #tpu.memory_space<vmem>>) target(%dma_start3A_188 : memref<10240x128xf32, #tpu.memory_space<vmem_shared>>) offsets(%dma_start3A_185 : memref<128xi32, #tpu.memory_space<vmem>>) semaphore(%run_scoped3A : memref<!tpu.dma_semaphore, #tpu.memory_space<semaphore_mem>>) {add = true}
        %dma_wait3A_189 = arith.constant 0 : i32
        %dma_wait3A_190 = tpu.memref_slice %arg7[%add3A_160, %dma_wait3A_189] : memref<34x128xi32, #tpu.memory_space<vmem>> -> memref<1x128xi32, #tpu.memory_space<vmem>>
        %dma_wait3A_191 = tpu.memref_squeeze %dma_wait3A_190 : memref<1x128xi32, #tpu.memory_space<vmem>> -> memref<128xi32, #tpu.memory_space<vmem>>
        %dma_wait3A_192 = arith.constant 0 : i32
        %dma_wait3A_193 = arith.constant 0 : i32
        %dma_wait3A_194 = tpu.memref_slice %arg10[%dma_wait3A_192, %dma_wait3A_193] : memref<10240x128xf32, #tpu.memory_space<vmem_shared>> -> memref<10240x128xf32, #tpu.memory_space<vmem_shared>>
        tpu.wait_indirect_dma semaphore(%run_scoped3A : memref<!tpu.dma_semaphore, #tpu.memory_space<semaphore_mem>>) src(%arg9 : memref<128x128xf32, #tpu.memory_space<vmem>>) dst(%dma_wait3A_194 : memref<10240x128xf32, #tpu.memory_space<vmem_shared>>)
        tpu.yield
      }) : () -> ()
    }
    %scan3A_148 = arith.constant 17 : i32
    %barrier3A_149 = arith.constant 0 : index
    tpu.barrier barrier_id(%barrier3A_149)
    %mul3A_150 = arith.constant 640 : i32
    %mul3A_151 = arith.muli %arg1, %mul3A_150 : i32
    %mul3A_152 = arith.constant 640 : i32
    %mul3A_153 = arith.muli %arg1, %mul3A_152 : i32
    "tpu.region"() ({
      %run_scoped3A = tpu.sem_alloc : memref<!tpu.dma_semaphore, #tpu.memory_space<semaphore_mem>>
      %dma_start3A_154 = arith.constant 0 : i32
      %dma_start3A_155 = tpu.memref_slice %arg5[%arg0, %mul3A_153, %dma_start3A_154] : memref<2x10240x128xf32, #tpu.memory_space<hbm>> -> memref<1x640x128xf32, #tpu.memory_space<hbm>>
      %dma_start3A_156 = tpu.memref_squeeze %dma_start3A_155 : memref<1x640x128xf32, #tpu.memory_space<hbm>> -> memref<640x128xf32, #tpu.memory_space<hbm>>
      %dma_start3A_157 = arith.constant 0 : i32
      %dma_start3A_158 = tpu.memref_slice %arg10[%mul3A_151, %dma_start3A_157] : memref<10240x128xf32, #tpu.memory_space<vmem_shared>> -> memref<640x128xf32, #tpu.memory_space<vmem_shared>>
      tpu.enqueue_dma source(%dma_start3A_158 : memref<640x128xf32, #tpu.memory_space<vmem_shared>>) target(%dma_start3A_156 : memref<640x128xf32, #tpu.memory_space<hbm>>) target_semaphore(%run_scoped3A : memref<!tpu.dma_semaphore, #tpu.memory_space<semaphore_mem>>)
      %dma_wait3A_159 = arith.constant 0 : i32
      %dma_wait3A_160 = tpu.memref_slice %arg5[%arg0, %mul3A_153, %dma_wait3A_159] : memref<2x10240x128xf32, #tpu.memory_space<hbm>> -> memref<1x640x128xf32, #tpu.memory_space<hbm>>
      %dma_wait3A_161 = tpu.memref_squeeze %dma_wait3A_160 : memref<1x640x128xf32, #tpu.memory_space<hbm>> -> memref<640x128xf32, #tpu.memory_space<hbm>>
      %dma_wait3A_162 = arith.constant 0 : i32
      %dma_wait3A_163 = tpu.memref_slice %arg10[%mul3A_151, %dma_wait3A_162] : memref<10240x128xf32, #tpu.memory_space<vmem_shared>> -> memref<640x128xf32, #tpu.memory_space<vmem_shared>>
      tpu.wait_dma2 semaphore(%run_scoped3A : memref<!tpu.dma_semaphore, #tpu.memory_space<semaphore_mem>>) src(%dma_wait3A_163 : memref<640x128xf32, #tpu.memory_space<vmem_shared>>) dst(%dma_wait3A_161 : memref<640x128xf32, #tpu.memory_space<hbm>>)
      tpu.yield
    }) : () -> ()
    return
  }
}

#map = affine_map<(d0, d1) -> (0, 0)>
#map1 = affine_map<(d0, d1) -> (0, 0, 0)>
module attributes {stable_mosaic.version = 14 : i64} {
  func.func @scatter_kernel(%arg0: i32, %arg1: i32, %arg2: memref<40000x128xf32, #tpu.memory_space<hbm>>, %arg3: memref<32x12x128xi32, #tpu.memory_space<hbm>>, %arg4: memref<32x12x128xi32, #tpu.memory_space<hbm>>, %arg5: memref<2x10240x128xf32, #tpu.memory_space<hbm>>, %arg6: memref<12x128xi32, #tpu.memory_space<vmem>>, %arg7: memref<12x128xi32, #tpu.memory_space<vmem>>, %arg8: memref<128x128xf32, #tpu.memory_space<vmem>>, %arg9: memref<128x128xf32, #tpu.memory_space<vmem>>, %arg10: memref<10240x128xf32, #tpu.memory_space<vmem_shared>>, %arg11: memref<!tpu.dma_semaphore, #tpu.memory_space<semaphore_mem>>, %arg12: memref<!tpu.dma_semaphore, #tpu.memory_space<semaphore_mem>>, %arg13: memref<!tpu.dma_semaphore, #tpu.memory_space<semaphore_mem>>) attributes {dimension_semantics = [#tpu.dimension_semantics<core_parallel>, #tpu.dimension_semantics<subcore_parallel>], iteration_bounds = array<i64: 2, 16>, scalar_prefetch = 0 : i64, scratch_operands = 8 : i64, tpu.core_type = #tpu.core_type<sc_vector_subcore>, window_params = [{transform_indices = #map}, {transform_indices = #map1}, {transform_indices = #map1}, {transform_indices = #map1}]} {
    %mul3A = arith.constant 16 : i32
    %mul3A_0 = arith.muli %arg0, %mul3A : i32
    %add3A = arith.addi %mul3A_0, %arg1 : i32
    %dma_start3A = arith.constant 0 : i32
    %dma_start3A_1 = arith.constant 0 : i32
    %dma_start3A_2 = tpu.memref_slice %arg3[%add3A, %dma_start3A, %dma_start3A_1] : memref<32x12x128xi32, #tpu.memory_space<hbm>> -> memref<1x12x128xi32, #tpu.memory_space<hbm>>
    %dma_start3A_3 = tpu.memref_squeeze %dma_start3A_2 : memref<1x12x128xi32, #tpu.memory_space<hbm>> -> memref<12x128xi32, #tpu.memory_space<hbm>>
    %dma_start3A_4 = arith.constant 0 : i32
    %dma_start3A_5 = arith.constant 0 : i32
    %dma_start3A_6 = tpu.memref_slice %arg3[%add3A, %dma_start3A_4, %dma_start3A_5] : memref<32x12x128xi32, #tpu.memory_space<hbm>> -> memref<1x12x128xi32, #tpu.memory_space<hbm>>
    %dma_start3A_7 = tpu.memref_squeeze %dma_start3A_6 : memref<1x12x128xi32, #tpu.memory_space<hbm>> -> memref<12x128xi32, #tpu.memory_space<hbm>>
    tpu.enqueue_dma source(%dma_start3A_7 : memref<12x128xi32, #tpu.memory_space<hbm>>) target(%arg6 : memref<12x128xi32, #tpu.memory_space<vmem>>) target_semaphore(%arg13 : memref<!tpu.dma_semaphore, #tpu.memory_space<semaphore_mem>>)
    %dma_start3A_8 = arith.constant 0 : i32
    %dma_start3A_9 = arith.constant 0 : i32
    %dma_start3A_10 = tpu.memref_slice %arg4[%add3A, %dma_start3A_8, %dma_start3A_9] : memref<32x12x128xi32, #tpu.memory_space<hbm>> -> memref<1x12x128xi32, #tpu.memory_space<hbm>>
    %dma_start3A_11 = tpu.memref_squeeze %dma_start3A_10 : memref<1x12x128xi32, #tpu.memory_space<hbm>> -> memref<12x128xi32, #tpu.memory_space<hbm>>
    %dma_start3A_12 = arith.constant 0 : i32
    %dma_start3A_13 = arith.constant 0 : i32
    %dma_start3A_14 = tpu.memref_slice %arg4[%add3A, %dma_start3A_12, %dma_start3A_13] : memref<32x12x128xi32, #tpu.memory_space<hbm>> -> memref<1x12x128xi32, #tpu.memory_space<hbm>>
    %dma_start3A_15 = tpu.memref_squeeze %dma_start3A_14 : memref<1x12x128xi32, #tpu.memory_space<hbm>> -> memref<12x128xi32, #tpu.memory_space<hbm>>
    tpu.enqueue_dma source(%dma_start3A_15 : memref<12x128xi32, #tpu.memory_space<hbm>>) target(%arg7 : memref<12x128xi32, #tpu.memory_space<vmem>>) target_semaphore(%arg13 : memref<!tpu.dma_semaphore, #tpu.memory_space<semaphore_mem>>)
    %scan3A = arith.constant 0 : i32
    %scan3A_16 = arith.constant 0 : i32
    %scan3A_17 = arith.constant 128 : i32
    %scan3A_18 = arith.addi %scan3A_16, %scan3A_17 : i32
    %scan3A_19 = arith.constant 1 : i32
    scf.for %scan3A_154 = %scan3A_16 to %scan3A_18 step %scan3A_19  : i32 {
      %broadcast_in_dim3A = arith.constant 0.000000e+00 : f32
      %broadcast_in_dim3A_155 = vector.broadcast %broadcast_in_dim3A : f32 to vector<16xf32>
      %swap3A = arith.index_cast %scan3A_154 : i32 to index
      %swap3A_156 = arith.constant 0 : index
      %swap3A_157 = tpu.vector_load %arg8[%swap3A, %swap3A_156] {strides = array<i32>} : memref<128x128xf32, #tpu.memory_space<vmem>>, vector<1x16xf32>,
      %swap3A_158 = vector.shape_cast %swap3A_157 : vector<1x16xf32> to vector<16xf32>
      %swap3A_159 = vector.shape_cast %broadcast_in_dim3A_155 : vector<16xf32> to vector<1x16xf32>
      tpu.vector_store %arg8[%swap3A, %swap3A_156], %swap3A_159 {strides = array<i32>} : memref<128x128xf32, #tpu.memory_space<vmem>>, vector<1x16xf32>,
      %broadcast_in_dim3A_160 = arith.constant 0.000000e+00 : f32
      %broadcast_in_dim3A_161 = vector.broadcast %broadcast_in_dim3A_160 : f32 to vector<16xf32>
      %swap3A_162 = arith.index_cast %scan3A_154 : i32 to index
      %swap3A_163 = arith.constant 16 : index
      %swap3A_164 = tpu.vector_load %arg8[%swap3A_162, %swap3A_163] {strides = array<i32>} : memref<128x128xf32, #tpu.memory_space<vmem>>, vector<1x16xf32>,
      %swap3A_165 = vector.shape_cast %swap3A_164 : vector<1x16xf32> to vector<16xf32>
      %swap3A_166 = vector.shape_cast %broadcast_in_dim3A_161 : vector<16xf32> to vector<1x16xf32>
      tpu.vector_store %arg8[%swap3A_162, %swap3A_163], %swap3A_166 {strides = array<i32>} : memref<128x128xf32, #tpu.memory_space<vmem>>, vector<1x16xf32>,
      %broadcast_in_dim3A_167 = arith.constant 0.000000e+00 : f32
      %broadcast_in_dim3A_168 = vector.broadcast %broadcast_in_dim3A_167 : f32 to vector<16xf32>
      %swap3A_169 = arith.index_cast %scan3A_154 : i32 to index
      %swap3A_170 = arith.constant 32 : index
      %swap3A_171 = tpu.vector_load %arg8[%swap3A_169, %swap3A_170] {strides = array<i32>} : memref<128x128xf32, #tpu.memory_space<vmem>>, vector<1x16xf32>,
      %swap3A_172 = vector.shape_cast %swap3A_171 : vector<1x16xf32> to vector<16xf32>
      %swap3A_173 = vector.shape_cast %broadcast_in_dim3A_168 : vector<16xf32> to vector<1x16xf32>
      tpu.vector_store %arg8[%swap3A_169, %swap3A_170], %swap3A_173 {strides = array<i32>} : memref<128x128xf32, #tpu.memory_space<vmem>>, vector<1x16xf32>,
      %broadcast_in_dim3A_174 = arith.constant 0.000000e+00 : f32
      %broadcast_in_dim3A_175 = vector.broadcast %broadcast_in_dim3A_174 : f32 to vector<16xf32>
      %swap3A_176 = arith.index_cast %scan3A_154 : i32 to index
      %swap3A_177 = arith.constant 48 : index
      %swap3A_178 = tpu.vector_load %arg8[%swap3A_176, %swap3A_177] {strides = array<i32>} : memref<128x128xf32, #tpu.memory_space<vmem>>, vector<1x16xf32>,
      %swap3A_179 = vector.shape_cast %swap3A_178 : vector<1x16xf32> to vector<16xf32>
      %swap3A_180 = vector.shape_cast %broadcast_in_dim3A_175 : vector<16xf32> to vector<1x16xf32>
      tpu.vector_store %arg8[%swap3A_176, %swap3A_177], %swap3A_180 {strides = array<i32>} : memref<128x128xf32, #tpu.memory_space<vmem>>, vector<1x16xf32>,
      %broadcast_in_dim3A_181 = arith.constant 0.000000e+00 : f32
      %broadcast_in_dim3A_182 = vector.broadcast %broadcast_in_dim3A_181 : f32 to vector<16xf32>
      %swap3A_183 = arith.index_cast %scan3A_154 : i32 to index
      %swap3A_184 = arith.constant 64 : index
      %swap3A_185 = tpu.vector_load %arg8[%swap3A_183, %swap3A_184] {strides = array<i32>} : memref<128x128xf32, #tpu.memory_space<vmem>>, vector<1x16xf32>,
      %swap3A_186 = vector.shape_cast %swap3A_185 : vector<1x16xf32> to vector<16xf32>
      %swap3A_187 = vector.shape_cast %broadcast_in_dim3A_182 : vector<16xf32> to vector<1x16xf32>
      tpu.vector_store %arg8[%swap3A_183, %swap3A_184], %swap3A_187 {strides = array<i32>} : memref<128x128xf32, #tpu.memory_space<vmem>>, vector<1x16xf32>,
      %broadcast_in_dim3A_188 = arith.constant 0.000000e+00 : f32
      %broadcast_in_dim3A_189 = vector.broadcast %broadcast_in_dim3A_188 : f32 to vector<16xf32>
      %swap3A_190 = arith.index_cast %scan3A_154 : i32 to index
      %swap3A_191 = arith.constant 80 : index
      %swap3A_192 = tpu.vector_load %arg8[%swap3A_190, %swap3A_191] {strides = array<i32>} : memref<128x128xf32, #tpu.memory_space<vmem>>, vector<1x16xf32>,
      %swap3A_193 = vector.shape_cast %swap3A_192 : vector<1x16xf32> to vector<16xf32>
      %swap3A_194 = vector.shape_cast %broadcast_in_dim3A_189 : vector<16xf32> to vector<1x16xf32>
      tpu.vector_store %arg8[%swap3A_190, %swap3A_191], %swap3A_194 {strides = array<i32>} : memref<128x128xf32, #tpu.memory_space<vmem>>, vector<1x16xf32>,
      %broadcast_in_dim3A_195 = arith.constant 0.000000e+00 : f32
      %broadcast_in_dim3A_196 = vector.broadcast %broadcast_in_dim3A_195 : f32 to vector<16xf32>
      %swap3A_197 = arith.index_cast %scan3A_154 : i32 to index
      %swap3A_198 = arith.constant 96 : index
      %swap3A_199 = tpu.vector_load %arg8[%swap3A_197, %swap3A_198] {strides = array<i32>} : memref<128x128xf32, #tpu.memory_space<vmem>>, vector<1x16xf32>,
      %swap3A_200 = vector.shape_cast %swap3A_199 : vector<1x16xf32> to vector<16xf32>
      %swap3A_201 = vector.shape_cast %broadcast_in_dim3A_196 : vector<16xf32> to vector<1x16xf32>
      tpu.vector_store %arg8[%swap3A_197, %swap3A_198], %swap3A_201 {strides = array<i32>} : memref<128x128xf32, #tpu.memory_space<vmem>>, vector<1x16xf32>,
      %broadcast_in_dim3A_202 = arith.constant 0.000000e+00 : f32
      %broadcast_in_dim3A_203 = vector.broadcast %broadcast_in_dim3A_202 : f32 to vector<16xf32>
      %swap3A_204 = arith.index_cast %scan3A_154 : i32 to index
      %swap3A_205 = arith.constant 112 : index
      %swap3A_206 = tpu.vector_load %arg8[%swap3A_204, %swap3A_205] {strides = array<i32>} : memref<128x128xf32, #tpu.memory_space<vmem>>, vector<1x16xf32>,
      %swap3A_207 = vector.shape_cast %swap3A_206 : vector<1x16xf32> to vector<16xf32>
      %swap3A_208 = vector.shape_cast %broadcast_in_dim3A_203 : vector<16xf32> to vector<1x16xf32>
      tpu.vector_store %arg8[%swap3A_204, %swap3A_205], %swap3A_208 {strides = array<i32>} : memref<128x128xf32, #tpu.memory_space<vmem>>, vector<1x16xf32>,
    }
    %scan3A_20 = arith.constant 128 : i32
    %mul3A_21 = arith.constant 5 : i32
    %mul3A_22 = arith.muli %arg1, %mul3A_21 : i32
    %add3A_23 = arith.constant 0 : i32
    %add3A_24 = arith.addi %mul3A_22, %add3A_23 : i32
    %mul3A_25 = arith.constant 128 : i32
    %mul3A_26 = arith.muli %add3A_24, %mul3A_25 : i32
    %dma_start3A_27 = arith.constant 0 : i32
    %dma_start3A_28 = tpu.memref_slice %arg10[%mul3A_26, %dma_start3A_27] : memref<10240x128xf32, #tpu.memory_space<vmem_shared>> -> memref<128x128xf32, #tpu.memory_space<vmem_shared>>
    %dma_start3A_29 = arith.constant 0 : i32
    %dma_start3A_30 = tpu.memref_slice %arg10[%mul3A_26, %dma_start3A_29] : memref<10240x128xf32, #tpu.memory_space<vmem_shared>> -> memref<128x128xf32, #tpu.memory_space<vmem_shared>>
    tpu.enqueue_dma source(%arg8 : memref<128x128xf32, #tpu.memory_space<vmem>>) target(%dma_start3A_30 : memref<128x128xf32, #tpu.memory_space<vmem_shared>>) target_semaphore(%arg11 : memref<!tpu.dma_semaphore, #tpu.memory_space<semaphore_mem>>)
    %mul3A_31 = arith.constant 5 : i32
    %mul3A_32 = arith.muli %arg1, %mul3A_31 : i32
    %add3A_33 = arith.constant 1 : i32
    %add3A_34 = arith.addi %mul3A_32, %add3A_33 : i32
    %mul3A_35 = arith.constant 128 : i32
    %mul3A_36 = arith.muli %add3A_34, %mul3A_35 : i32
    %dma_start3A_37 = arith.constant 0 : i32
    %dma_start3A_38 = tpu.memref_slice %arg10[%mul3A_36, %dma_start3A_37] : memref<10240x128xf32, #tpu.memory_space<vmem_shared>> -> memref<128x128xf32, #tpu.memory_space<vmem_shared>>
    %dma_start3A_39 = arith.constant 0 : i32
    %dma_start3A_40 = tpu.memref_slice %arg10[%mul3A_36, %dma_start3A_39] : memref<10240x128xf32, #tpu.memory_space<vmem_shared>> -> memref<128x128xf32, #tpu.memory_space<vmem_shared>>
    tpu.enqueue_dma source(%arg8 : memref<128x128xf32, #tpu.memory_space<vmem>>) target(%dma_start3A_40 : memref<128x128xf32, #tpu.memory_space<vmem_shared>>) target_semaphore(%arg11 : memref<!tpu.dma_semaphore, #tpu.memory_space<semaphore_mem>>)
    %mul3A_41 = arith.constant 5 : i32
    %mul3A_42 = arith.muli %arg1, %mul3A_41 : i32
    %add3A_43 = arith.constant 2 : i32
    %add3A_44 = arith.addi %mul3A_42, %add3A_43 : i32
    %mul3A_45 = arith.constant 128 : i32
    %mul3A_46 = arith.muli %add3A_44, %mul3A_45 : i32
    %dma_start3A_47 = arith.constant 0 : i32
    %dma_start3A_48 = tpu.memref_slice %arg10[%mul3A_46, %dma_start3A_47] : memref<10240x128xf32, #tpu.memory_space<vmem_shared>> -> memref<128x128xf32, #tpu.memory_space<vmem_shared>>
    %dma_start3A_49 = arith.constant 0 : i32
    %dma_start3A_50 = tpu.memref_slice %arg10[%mul3A_46, %dma_start3A_49] : memref<10240x128xf32, #tpu.memory_space<vmem_shared>> -> memref<128x128xf32, #tpu.memory_space<vmem_shared>>
    tpu.enqueue_dma source(%arg8 : memref<128x128xf32, #tpu.memory_space<vmem>>) target(%dma_start3A_50 : memref<128x128xf32, #tpu.memory_space<vmem_shared>>) target_semaphore(%arg11 : memref<!tpu.dma_semaphore, #tpu.memory_space<semaphore_mem>>)
    %mul3A_51 = arith.constant 5 : i32
    %mul3A_52 = arith.muli %arg1, %mul3A_51 : i32
    %add3A_53 = arith.constant 3 : i32
    %add3A_54 = arith.addi %mul3A_52, %add3A_53 : i32
    %mul3A_55 = arith.constant 128 : i32
    %mul3A_56 = arith.muli %add3A_54, %mul3A_55 : i32
    %dma_start3A_57 = arith.constant 0 : i32
    %dma_start3A_58 = tpu.memref_slice %arg10[%mul3A_56, %dma_start3A_57] : memref<10240x128xf32, #tpu.memory_space<vmem_shared>> -> memref<128x128xf32, #tpu.memory_space<vmem_shared>>
    %dma_start3A_59 = arith.constant 0 : i32
    %dma_start3A_60 = tpu.memref_slice %arg10[%mul3A_56, %dma_start3A_59] : memref<10240x128xf32, #tpu.memory_space<vmem_shared>> -> memref<128x128xf32, #tpu.memory_space<vmem_shared>>
    tpu.enqueue_dma source(%arg8 : memref<128x128xf32, #tpu.memory_space<vmem>>) target(%dma_start3A_60 : memref<128x128xf32, #tpu.memory_space<vmem_shared>>) target_semaphore(%arg11 : memref<!tpu.dma_semaphore, #tpu.memory_space<semaphore_mem>>)
    %mul3A_61 = arith.constant 5 : i32
    %mul3A_62 = arith.muli %arg1, %mul3A_61 : i32
    %add3A_63 = arith.constant 4 : i32
    %add3A_64 = arith.addi %mul3A_62, %add3A_63 : i32
    %mul3A_65 = arith.constant 128 : i32
    %mul3A_66 = arith.muli %add3A_64, %mul3A_65 : i32
    %dma_start3A_67 = arith.constant 0 : i32
    %dma_start3A_68 = tpu.memref_slice %arg10[%mul3A_66, %dma_start3A_67] : memref<10240x128xf32, #tpu.memory_space<vmem_shared>> -> memref<128x128xf32, #tpu.memory_space<vmem_shared>>
    %dma_start3A_69 = arith.constant 0 : i32
    %dma_start3A_70 = tpu.memref_slice %arg10[%mul3A_66, %dma_start3A_69] : memref<10240x128xf32, #tpu.memory_space<vmem_shared>> -> memref<128x128xf32, #tpu.memory_space<vmem_shared>>
    tpu.enqueue_dma source(%arg8 : memref<128x128xf32, #tpu.memory_space<vmem>>) target(%dma_start3A_70 : memref<128x128xf32, #tpu.memory_space<vmem_shared>>) target_semaphore(%arg11 : memref<!tpu.dma_semaphore, #tpu.memory_space<semaphore_mem>>)
    %mul3A_71 = arith.constant 5 : i32
    %mul3A_72 = arith.muli %arg1, %mul3A_71 : i32
    %add3A_73 = arith.constant 0 : i32
    %add3A_74 = arith.addi %mul3A_72, %add3A_73 : i32
    %mul3A_75 = arith.constant 128 : i32
    %mul3A_76 = arith.muli %add3A_74, %mul3A_75 : i32
    %dma_wait3A = arith.constant 0 : i32
    %dma_wait3A_77 = tpu.memref_slice %arg10[%mul3A_76, %dma_wait3A] : memref<10240x128xf32, #tpu.memory_space<vmem_shared>> -> memref<128x128xf32, #tpu.memory_space<vmem_shared>>
    %dma_wait3A_78 = arith.constant 0 : i32
    %dma_wait3A_79 = tpu.memref_slice %arg10[%mul3A_76, %dma_wait3A_78] : memref<10240x128xf32, #tpu.memory_space<vmem_shared>> -> memref<128x128xf32, #tpu.memory_space<vmem_shared>>
    tpu.wait_dma2 semaphore(%arg11 : memref<!tpu.dma_semaphore, #tpu.memory_space<semaphore_mem>>) src(%arg8 : memref<128x128xf32, #tpu.memory_space<vmem>>) dst(%dma_wait3A_79 : memref<128x128xf32, #tpu.memory_space<vmem_shared>>)
    %mul3A_80 = arith.constant 5 : i32
    %mul3A_81 = arith.muli %arg1, %mul3A_80 : i32
    %add3A_82 = arith.constant 1 : i32
    %add3A_83 = arith.addi %mul3A_81, %add3A_82 : i32
    %mul3A_84 = arith.constant 128 : i32
    %mul3A_85 = arith.muli %add3A_83, %mul3A_84 : i32
    %dma_wait3A_86 = arith.constant 0 : i32
    %dma_wait3A_87 = tpu.memref_slice %arg10[%mul3A_85, %dma_wait3A_86] : memref<10240x128xf32, #tpu.memory_space<vmem_shared>> -> memref<128x128xf32, #tpu.memory_space<vmem_shared>>
    %dma_wait3A_88 = arith.constant 0 : i32
    %dma_wait3A_89 = tpu.memref_slice %arg10[%mul3A_85, %dma_wait3A_88] : memref<10240x128xf32, #tpu.memory_space<vmem_shared>> -> memref<128x128xf32, #tpu.memory_space<vmem_shared>>
    tpu.wait_dma2 semaphore(%arg11 : memref<!tpu.dma_semaphore, #tpu.memory_space<semaphore_mem>>) src(%arg8 : memref<128x128xf32, #tpu.memory_space<vmem>>) dst(%dma_wait3A_89 : memref<128x128xf32, #tpu.memory_space<vmem_shared>>)
    %mul3A_90 = arith.constant 5 : i32
    %mul3A_91 = arith.muli %arg1, %mul3A_90 : i32
    %add3A_92 = arith.constant 2 : i32
    %add3A_93 = arith.addi %mul3A_91, %add3A_92 : i32
    %mul3A_94 = arith.constant 128 : i32
    %mul3A_95 = arith.muli %add3A_93, %mul3A_94 : i32
    %dma_wait3A_96 = arith.constant 0 : i32
    %dma_wait3A_97 = tpu.memref_slice %arg10[%mul3A_95, %dma_wait3A_96] : memref<10240x128xf32, #tpu.memory_space<vmem_shared>> -> memref<128x128xf32, #tpu.memory_space<vmem_shared>>
    %dma_wait3A_98 = arith.constant 0 : i32
    %dma_wait3A_99 = tpu.memref_slice %arg10[%mul3A_95, %dma_wait3A_98] : memref<10240x128xf32, #tpu.memory_space<vmem_shared>> -> memref<128x128xf32, #tpu.memory_space<vmem_shared>>
    tpu.wait_dma2 semaphore(%arg11 : memref<!tpu.dma_semaphore, #tpu.memory_space<semaphore_mem>>) src(%arg8 : memref<128x128xf32, #tpu.memory_space<vmem>>) dst(%dma_wait3A_99 : memref<128x128xf32, #tpu.memory_space<vmem_shared>>)
    %mul3A_100 = arith.constant 5 : i32
    %mul3A_101 = arith.muli %arg1, %mul3A_100 : i32
    %add3A_102 = arith.constant 3 : i32
    %add3A_103 = arith.addi %mul3A_101, %add3A_102 : i32
    %mul3A_104 = arith.constant 128 : i32
    %mul3A_105 = arith.muli %add3A_103, %mul3A_104 : i32
    %dma_wait3A_106 = arith.constant 0 : i32
    %dma_wait3A_107 = tpu.memref_slice %arg10[%mul3A_105, %dma_wait3A_106] : memref<10240x128xf32, #tpu.memory_space<vmem_shared>> -> memref<128x128xf32, #tpu.memory_space<vmem_shared>>
    %dma_wait3A_108 = arith.constant 0 : i32
    %dma_wait3A_109 = tpu.memref_slice %arg10[%mul3A_105, %dma_wait3A_108] : memref<10240x128xf32, #tpu.memory_space<vmem_shared>> -> memref<128x128xf32, #tpu.memory_space<vmem_shared>>
    tpu.wait_dma2 semaphore(%arg11 : memref<!tpu.dma_semaphore, #tpu.memory_space<semaphore_mem>>) src(%arg8 : memref<128x128xf32, #tpu.memory_space<vmem>>) dst(%dma_wait3A_109 : memref<128x128xf32, #tpu.memory_space<vmem_shared>>)
    %mul3A_110 = arith.constant 5 : i32
    %mul3A_111 = arith.muli %arg1, %mul3A_110 : i32
    %add3A_112 = arith.constant 4 : i32
    %add3A_113 = arith.addi %mul3A_111, %add3A_112 : i32
    %mul3A_114 = arith.constant 128 : i32
    %mul3A_115 = arith.muli %add3A_113, %mul3A_114 : i32
    %dma_wait3A_116 = arith.constant 0 : i32
    %dma_wait3A_117 = tpu.memref_slice %arg10[%mul3A_115, %dma_wait3A_116] : memref<10240x128xf32, #tpu.memory_space<vmem_shared>> -> memref<128x128xf32, #tpu.memory_space<vmem_shared>>
    %dma_wait3A_118 = arith.constant 0 : i32
    %dma_wait3A_119 = tpu.memref_slice %arg10[%mul3A_115, %dma_wait3A_118] : memref<10240x128xf32, #tpu.memory_space<vmem_shared>> -> memref<128x128xf32, #tpu.memory_space<vmem_shared>>
    tpu.wait_dma2 semaphore(%arg11 : memref<!tpu.dma_semaphore, #tpu.memory_space<semaphore_mem>>) src(%arg8 : memref<128x128xf32, #tpu.memory_space<vmem>>) dst(%dma_wait3A_119 : memref<128x128xf32, #tpu.memory_space<vmem_shared>>)
    %dma_wait3A_120 = arith.constant 0 : i32
    %dma_wait3A_121 = arith.constant 0 : i32
    %dma_wait3A_122 = tpu.memref_slice %arg3[%add3A, %dma_wait3A_120, %dma_wait3A_121] : memref<32x12x128xi32, #tpu.memory_space<hbm>> -> memref<1x12x128xi32, #tpu.memory_space<hbm>>
    %dma_wait3A_123 = tpu.memref_squeeze %dma_wait3A_122 : memref<1x12x128xi32, #tpu.memory_space<hbm>> -> memref<12x128xi32, #tpu.memory_space<hbm>>
    %dma_wait3A_124 = arith.constant 0 : i32
    %dma_wait3A_125 = arith.constant 0 : i32
    %dma_wait3A_126 = tpu.memref_slice %arg3[%add3A, %dma_wait3A_124, %dma_wait3A_125] : memref<32x12x128xi32, #tpu.memory_space<hbm>> -> memref<1x12x128xi32, #tpu.memory_space<hbm>>
    %dma_wait3A_127 = tpu.memref_squeeze %dma_wait3A_126 : memref<1x12x128xi32, #tpu.memory_space<hbm>> -> memref<12x128xi32, #tpu.memory_space<hbm>>
    tpu.wait_dma2 semaphore(%arg13 : memref<!tpu.dma_semaphore, #tpu.memory_space<semaphore_mem>>) src(%dma_wait3A_127 : memref<12x128xi32, #tpu.memory_space<hbm>>) dst(%arg6 : memref<12x128xi32, #tpu.memory_space<vmem>>)
    %dma_wait3A_128 = arith.constant 0 : i32
    %dma_wait3A_129 = arith.constant 0 : i32
    %dma_wait3A_130 = tpu.memref_slice %arg4[%add3A, %dma_wait3A_128, %dma_wait3A_129] : memref<32x12x128xi32, #tpu.memory_space<hbm>> -> memref<1x12x128xi32, #tpu.memory_space<hbm>>
    %dma_wait3A_131 = tpu.memref_squeeze %dma_wait3A_130 : memref<1x12x128xi32, #tpu.memory_space<hbm>> -> memref<12x128xi32, #tpu.memory_space<hbm>>
    %dma_wait3A_132 = arith.constant 0 : i32
    %dma_wait3A_133 = arith.constant 0 : i32
    %dma_wait3A_134 = tpu.memref_slice %arg4[%add3A, %dma_wait3A_132, %dma_wait3A_133] : memref<32x12x128xi32, #tpu.memory_space<hbm>> -> memref<1x12x128xi32, #tpu.memory_space<hbm>>
    %dma_wait3A_135 = tpu.memref_squeeze %dma_wait3A_134 : memref<1x12x128xi32, #tpu.memory_space<hbm>> -> memref<12x128xi32, #tpu.memory_space<hbm>>
    tpu.wait_dma2 semaphore(%arg13 : memref<!tpu.dma_semaphore, #tpu.memory_space<semaphore_mem>>) src(%dma_wait3A_135 : memref<12x128xi32, #tpu.memory_space<hbm>>) dst(%arg7 : memref<12x128xi32, #tpu.memory_space<vmem>>)
    %dma_start3A_136 = arith.constant 0 : i32
    %dma_start3A_137 = arith.constant 0 : i32
    %dma_start3A_138 = tpu.memref_slice %arg6[%dma_start3A_136, %dma_start3A_137] : memref<12x128xi32, #tpu.memory_space<vmem>> -> memref<1x128xi32, #tpu.memory_space<vmem>>
    %dma_start3A_139 = tpu.memref_squeeze %dma_start3A_138 : memref<1x128xi32, #tpu.memory_space<vmem>> -> memref<128xi32, #tpu.memory_space<vmem>>
    %dma_start3A_140 = arith.constant 0 : i32
    %dma_start3A_141 = arith.constant 0 : i32
    %dma_start3A_142 = tpu.memref_slice %arg2[%dma_start3A_140, %dma_start3A_141] : memref<40000x128xf32, #tpu.memory_space<hbm>> -> memref<40000x128xf32, #tpu.memory_space<hbm>>
    tpu.enqueue_indirect_dma source(%dma_start3A_142 : memref<40000x128xf32, #tpu.memory_space<hbm>>) target(%arg8 : memref<128x128xf32, #tpu.memory_space<vmem>>) offsets(%dma_start3A_139 : memref<128xi32, #tpu.memory_space<vmem>>) semaphore(%arg11 : memref<!tpu.dma_semaphore, #tpu.memory_space<semaphore_mem>>)
    %barrier3A = arith.constant 0 : index
    tpu.barrier barrier_id(%barrier3A)
    %scan3A_143 = arith.constant 0 : i32
    %scan3A_144 = arith.constant 0 : i32
    %scan3A_145 = arith.constant 6 : i32
    %scan3A_146 = arith.addi %scan3A_144, %scan3A_145 : i32
    %scan3A_147 = arith.constant 1 : i32
    scf.for %scan3A_154 = %scan3A_144 to %scan3A_146 step %scan3A_147  : i32 {
      %mul3A_155 = arith.constant 2 : i32
      %mul3A_156 = arith.muli %mul3A_155, %scan3A_154 : i32
      %mul3A_157 = arith.constant 2 : i32
      %mul3A_158 = arith.muli %mul3A_157, %scan3A_154 : i32
      %add3A_159 = arith.constant 1 : i32
      %add3A_160 = arith.addi %mul3A_158, %add3A_159 : i32
      %dma_wait3A_161 = arith.constant 0 : i32
      %dma_wait3A_162 = tpu.memref_slice %arg6[%mul3A_156, %dma_wait3A_161] : memref<12x128xi32, #tpu.memory_space<vmem>> -> memref<1x128xi32, #tpu.memory_space<vmem>>
      %dma_wait3A_163 = tpu.memref_squeeze %dma_wait3A_162 : memref<1x128xi32, #tpu.memory_space<vmem>> -> memref<128xi32, #tpu.memory_space<vmem>>
      %dma_wait3A_164 = arith.constant 0 : i32
      %dma_wait3A_165 = arith.constant 0 : i32
      %dma_wait3A_166 = tpu.memref_slice %arg2[%dma_wait3A_164, %dma_wait3A_165] : memref<40000x128xf32, #tpu.memory_space<hbm>> -> memref<40000x128xf32, #tpu.memory_space<hbm>>
      tpu.wait_indirect_dma semaphore(%arg11 : memref<!tpu.dma_semaphore, #tpu.memory_space<semaphore_mem>>) src(%dma_wait3A_166 : memref<40000x128xf32, #tpu.memory_space<hbm>>) dst(%arg8 : memref<128x128xf32, #tpu.memory_space<vmem>>)
      %dma_start3A_167 = arith.constant 0 : i32
      %dma_start3A_168 = tpu.memref_slice %arg6[%add3A_160, %dma_start3A_167] : memref<12x128xi32, #tpu.memory_space<vmem>> -> memref<1x128xi32, #tpu.memory_space<vmem>>
      %dma_start3A_169 = tpu.memref_squeeze %dma_start3A_168 : memref<1x128xi32, #tpu.memory_space<vmem>> -> memref<128xi32, #tpu.memory_space<vmem>>
      %dma_start3A_170 = arith.constant 0 : i32
      %dma_start3A_171 = arith.constant 0 : i32
      %dma_start3A_172 = tpu.memref_slice %arg2[%dma_start3A_170, %dma_start3A_171] : memref<40000x128xf32, #tpu.memory_space<hbm>> -> memref<40000x128xf32, #tpu.memory_space<hbm>>
      tpu.enqueue_indirect_dma source(%dma_start3A_172 : memref<40000x128xf32, #tpu.memory_space<hbm>>) target(%arg9 : memref<128x128xf32, #tpu.memory_space<vmem>>) offsets(%dma_start3A_169 : memref<128xi32, #tpu.memory_space<vmem>>) semaphore(%arg12 : memref<!tpu.dma_semaphore, #tpu.memory_space<semaphore_mem>>)
      "tpu.region"() ({
        %run_scoped3A = tpu.sem_alloc : memref<!tpu.dma_semaphore, #tpu.memory_space<semaphore_mem>>
        %dma_start3A_183 = arith.constant 0 : i32
        %dma_start3A_184 = tpu.memref_slice %arg7[%mul3A_156, %dma_start3A_183] : memref<12x128xi32, #tpu.memory_space<vmem>> -> memref<1x128xi32, #tpu.memory_space<vmem>>
        %dma_start3A_185 = tpu.memref_squeeze %dma_start3A_184 : memref<1x128xi32, #tpu.memory_space<vmem>> -> memref<128xi32, #tpu.memory_space<vmem>>
        %dma_start3A_186 = arith.constant 0 : i32
        %dma_start3A_187 = arith.constant 0 : i32
        %dma_start3A_188 = tpu.memref_slice %arg10[%dma_start3A_186, %dma_start3A_187] : memref<10240x128xf32, #tpu.memory_space<vmem_shared>> -> memref<10240x128xf32, #tpu.memory_space<vmem_shared>>
        tpu.enqueue_indirect_dma source(%arg8 : memref<128x128xf32, #tpu.memory_space<vmem>>) target(%dma_start3A_188 : memref<10240x128xf32, #tpu.memory_space<vmem_shared>>) offsets(%dma_start3A_185 : memref<128xi32, #tpu.memory_space<vmem>>) semaphore(%run_scoped3A : memref<!tpu.dma_semaphore, #tpu.memory_space<semaphore_mem>>) {add = true}
        %dma_wait3A_189 = arith.constant 0 : i32
        %dma_wait3A_190 = tpu.memref_slice %arg7[%mul3A_156, %dma_wait3A_189] : memref<12x128xi32, #tpu.memory_space<vmem>> -> memref<1x128xi32, #tpu.memory_space<vmem>>
        %dma_wait3A_191 = tpu.memref_squeeze %dma_wait3A_190 : memref<1x128xi32, #tpu.memory_space<vmem>> -> memref<128xi32, #tpu.memory_space<vmem>>
        %dma_wait3A_192 = arith.constant 0 : i32
        %dma_wait3A_193 = arith.constant 0 : i32
        %dma_wait3A_194 = tpu.memref_slice %arg10[%dma_wait3A_192, %dma_wait3A_193] : memref<10240x128xf32, #tpu.memory_space<vmem_shared>> -> memref<10240x128xf32, #tpu.memory_space<vmem_shared>>
        tpu.wait_indirect_dma semaphore(%run_scoped3A : memref<!tpu.dma_semaphore, #tpu.memory_space<semaphore_mem>>) src(%arg8 : memref<128x128xf32, #tpu.memory_space<vmem>>) dst(%dma_wait3A_194 : memref<10240x128xf32, #tpu.memory_space<vmem_shared>>)
        tpu.yield
      }) : () -> ()
      %dma_wait3A_173 = arith.constant 0 : i32
      %dma_wait3A_174 = tpu.memref_slice %arg6[%add3A_160, %dma_wait3A_173] : memref<12x128xi32, #tpu.memory_space<vmem>> -> memref<1x128xi32, #tpu.memory_space<vmem>>
      %dma_wait3A_175 = tpu.memref_squeeze %dma_wait3A_174 : memref<1x128xi32, #tpu.memory_space<vmem>> -> memref<128xi32, #tpu.memory_space<vmem>>
      %dma_wait3A_176 = arith.constant 0 : i32
      %dma_wait3A_177 = arith.constant 0 : i32
      %dma_wait3A_178 = tpu.memref_slice %arg2[%dma_wait3A_176, %dma_wait3A_177] : memref<40000x128xf32, #tpu.memory_space<hbm>> -> memref<40000x128xf32, #tpu.memory_space<hbm>>
      tpu.wait_indirect_dma semaphore(%arg12 : memref<!tpu.dma_semaphore, #tpu.memory_space<semaphore_mem>>) src(%dma_wait3A_178 : memref<40000x128xf32, #tpu.memory_space<hbm>>) dst(%arg9 : memref<128x128xf32, #tpu.memory_space<vmem>>)
      %add3A_179 = arith.constant 1 : i32
      %add3A_180 = arith.addi %add3A_160, %add3A_179 : i32
      %lt3A = arith.constant 12 : i32
      %lt3A_181 = arith.cmpi slt, %add3A_180, %lt3A : i32
      %convert_element_type3A = arith.extui %lt3A_181 : i1 to i32
      %cond3A = arith.constant 0 : i32
      %cond3A_182 = arith.cmpi ne, %convert_element_type3A, %cond3A : i32
      scf.if %cond3A_182 {
        %add3A_183 = arith.constant 1 : i32
        %add3A_184 = arith.addi %add3A_160, %add3A_183 : i32
        %dma_start3A_185 = arith.constant 0 : i32
        %dma_start3A_186 = tpu.memref_slice %arg6[%add3A_184, %dma_start3A_185] : memref<12x128xi32, #tpu.memory_space<vmem>> -> memref<1x128xi32, #tpu.memory_space<vmem>>
        %dma_start3A_187 = tpu.memref_squeeze %dma_start3A_186 : memref<1x128xi32, #tpu.memory_space<vmem>> -> memref<128xi32, #tpu.memory_space<vmem>>
        %dma_start3A_188 = arith.constant 0 : i32
        %dma_start3A_189 = arith.constant 0 : i32
        %dma_start3A_190 = tpu.memref_slice %arg2[%dma_start3A_188, %dma_start3A_189] : memref<40000x128xf32, #tpu.memory_space<hbm>> -> memref<40000x128xf32, #tpu.memory_space<hbm>>
        tpu.enqueue_indirect_dma source(%dma_start3A_190 : memref<40000x128xf32, #tpu.memory_space<hbm>>) target(%arg8 : memref<128x128xf32, #tpu.memory_space<vmem>>) offsets(%dma_start3A_187 : memref<128xi32, #tpu.memory_space<vmem>>) semaphore(%arg11 : memref<!tpu.dma_semaphore, #tpu.memory_space<semaphore_mem>>)
      } else {
      }
      "tpu.region"() ({
        %run_scoped3A = tpu.sem_alloc : memref<!tpu.dma_semaphore, #tpu.memory_space<semaphore_mem>>
        %dma_start3A_183 = arith.constant 0 : i32
        %dma_start3A_184 = tpu.memref_slice %arg7[%add3A_160, %dma_start3A_183] : memref<12x128xi32, #tpu.memory_space<vmem>> -> memref<1x128xi32, #tpu.memory_space<vmem>>
        %dma_start3A_185 = tpu.memref_squeeze %dma_start3A_184 : memref<1x128xi32, #tpu.memory_space<vmem>> -> memref<128xi32, #tpu.memory_space<vmem>>
        %dma_start3A_186 = arith.constant 0 : i32
        %dma_start3A_187 = arith.constant 0 : i32
        %dma_start3A_188 = tpu.memref_slice %arg10[%dma_start3A_186, %dma_start3A_187] : memref<10240x128xf32, #tpu.memory_space<vmem_shared>> -> memref<10240x128xf32, #tpu.memory_space<vmem_shared>>
        tpu.enqueue_indirect_dma source(%arg9 : memref<128x128xf32, #tpu.memory_space<vmem>>) target(%dma_start3A_188 : memref<10240x128xf32, #tpu.memory_space<vmem_shared>>) offsets(%dma_start3A_185 : memref<128xi32, #tpu.memory_space<vmem>>) semaphore(%run_scoped3A : memref<!tpu.dma_semaphore, #tpu.memory_space<semaphore_mem>>) {add = true}
        %dma_wait3A_189 = arith.constant 0 : i32
        %dma_wait3A_190 = tpu.memref_slice %arg7[%add3A_160, %dma_wait3A_189] : memref<12x128xi32, #tpu.memory_space<vmem>> -> memref<1x128xi32, #tpu.memory_space<vmem>>
        %dma_wait3A_191 = tpu.memref_squeeze %dma_wait3A_190 : memref<1x128xi32, #tpu.memory_space<vmem>> -> memref<128xi32, #tpu.memory_space<vmem>>
        %dma_wait3A_192 = arith.constant 0 : i32
        %dma_wait3A_193 = arith.constant 0 : i32
        %dma_wait3A_194 = tpu.memref_slice %arg10[%dma_wait3A_192, %dma_wait3A_193] : memref<10240x128xf32, #tpu.memory_space<vmem_shared>> -> memref<10240x128xf32, #tpu.memory_space<vmem_shared>>
        tpu.wait_indirect_dma semaphore(%run_scoped3A : memref<!tpu.dma_semaphore, #tpu.memory_space<semaphore_mem>>) src(%arg9 : memref<128x128xf32, #tpu.memory_space<vmem>>) dst(%dma_wait3A_194 : memref<10240x128xf32, #tpu.memory_space<vmem_shared>>)
        tpu.yield
      }) : () -> ()
    }
    %scan3A_148 = arith.constant 6 : i32
    %barrier3A_149 = arith.constant 0 : index
    tpu.barrier barrier_id(%barrier3A_149)
    %mul3A_150 = arith.constant 640 : i32
    %mul3A_151 = arith.muli %arg1, %mul3A_150 : i32
    %mul3A_152 = arith.constant 640 : i32
    %mul3A_153 = arith.muli %arg1, %mul3A_152 : i32
    "tpu.region"() ({
      %run_scoped3A = tpu.sem_alloc : memref<!tpu.dma_semaphore, #tpu.memory_space<semaphore_mem>>
      %dma_start3A_154 = arith.constant 0 : i32
      %dma_start3A_155 = tpu.memref_slice %arg5[%arg0, %mul3A_153, %dma_start3A_154] : memref<2x10240x128xf32, #tpu.memory_space<hbm>> -> memref<1x640x128xf32, #tpu.memory_space<hbm>>
      %dma_start3A_156 = tpu.memref_squeeze %dma_start3A_155 : memref<1x640x128xf32, #tpu.memory_space<hbm>> -> memref<640x128xf32, #tpu.memory_space<hbm>>
      %dma_start3A_157 = arith.constant 0 : i32
      %dma_start3A_158 = tpu.memref_slice %arg10[%mul3A_151, %dma_start3A_157] : memref<10240x128xf32, #tpu.memory_space<vmem_shared>> -> memref<640x128xf32, #tpu.memory_space<vmem_shared>>
      tpu.enqueue_dma source(%dma_start3A_158 : memref<640x128xf32, #tpu.memory_space<vmem_shared>>) target(%dma_start3A_156 : memref<640x128xf32, #tpu.memory_space<hbm>>) target_semaphore(%run_scoped3A : memref<!tpu.dma_semaphore, #tpu.memory_space<semaphore_mem>>)
      %dma_wait3A_159 = arith.constant 0 : i32
      %dma_wait3A_160 = tpu.memref_slice %arg5[%arg0, %mul3A_153, %dma_wait3A_159] : memref<2x10240x128xf32, #tpu.memory_space<hbm>> -> memref<1x640x128xf32, #tpu.memory_space<hbm>>
      %dma_wait3A_161 = tpu.memref_squeeze %dma_wait3A_160 : memref<1x640x128xf32, #tpu.memory_space<hbm>> -> memref<640x128xf32, #tpu.memory_space<hbm>>
      %dma_wait3A_162 = arith.constant 0 : i32
      %dma_wait3A_163 = tpu.memref_slice %arg10[%mul3A_151, %dma_wait3A_162] : memref<10240x128xf32, #tpu.memory_space<vmem_shared>> -> memref<640x128xf32, #tpu.memory_space<vmem_shared>>
      tpu.wait_dma2 semaphore(%run_scoped3A : memref<!tpu.dma_semaphore, #tpu.memory_space<semaphore_mem>>) src(%dma_wait3A_163 : memref<640x128xf32, #tpu.memory_space<vmem_shared>>) dst(%dma_wait3A_161 : memref<640x128xf32, #tpu.memory_space<hbm>>)
      tpu.yield
    }) : () -> ()
    return
  }
}

#map = affine_map<(d0, d1) -> (0, 0)>
#map1 = affine_map<(d0, d1) -> (0, 0, 0)>
module attributes {stable_mosaic.version = 14 : i64} {
  func.func @scatter_kernel(%arg0: i32, %arg1: i32, %arg2: memref<120000x128xf32, #tpu.memory_space<hbm>>, %arg3: memref<32x36x128xi32, #tpu.memory_space<hbm>>, %arg4: memref<32x36x128xi32, #tpu.memory_space<hbm>>, %arg5: memref<2x10240x128xf32, #tpu.memory_space<hbm>>, %arg6: memref<36x128xi32, #tpu.memory_space<vmem>>, %arg7: memref<36x128xi32, #tpu.memory_space<vmem>>, %arg8: memref<128x128xf32, #tpu.memory_space<vmem>>, %arg9: memref<128x128xf32, #tpu.memory_space<vmem>>, %arg10: memref<10240x128xf32, #tpu.memory_space<vmem_shared>>, %arg11: memref<!tpu.dma_semaphore, #tpu.memory_space<semaphore_mem>>, %arg12: memref<!tpu.dma_semaphore, #tpu.memory_space<semaphore_mem>>, %arg13: memref<!tpu.dma_semaphore, #tpu.memory_space<semaphore_mem>>) attributes {dimension_semantics = [#tpu.dimension_semantics<core_parallel>, #tpu.dimension_semantics<subcore_parallel>], iteration_bounds = array<i64: 2, 16>, scalar_prefetch = 0 : i64, scratch_operands = 8 : i64, tpu.core_type = #tpu.core_type<sc_vector_subcore>, window_params = [{transform_indices = #map}, {transform_indices = #map1}, {transform_indices = #map1}, {transform_indices = #map1}]} {
    %mul3A = arith.constant 16 : i32
    %mul3A_0 = arith.muli %arg0, %mul3A : i32
    %add3A = arith.addi %mul3A_0, %arg1 : i32
    %dma_start3A = arith.constant 0 : i32
    %dma_start3A_1 = arith.constant 0 : i32
    %dma_start3A_2 = tpu.memref_slice %arg3[%add3A, %dma_start3A, %dma_start3A_1] : memref<32x36x128xi32, #tpu.memory_space<hbm>> -> memref<1x36x128xi32, #tpu.memory_space<hbm>>
    %dma_start3A_3 = tpu.memref_squeeze %dma_start3A_2 : memref<1x36x128xi32, #tpu.memory_space<hbm>> -> memref<36x128xi32, #tpu.memory_space<hbm>>
    %dma_start3A_4 = arith.constant 0 : i32
    %dma_start3A_5 = arith.constant 0 : i32
    %dma_start3A_6 = tpu.memref_slice %arg3[%add3A, %dma_start3A_4, %dma_start3A_5] : memref<32x36x128xi32, #tpu.memory_space<hbm>> -> memref<1x36x128xi32, #tpu.memory_space<hbm>>
    %dma_start3A_7 = tpu.memref_squeeze %dma_start3A_6 : memref<1x36x128xi32, #tpu.memory_space<hbm>> -> memref<36x128xi32, #tpu.memory_space<hbm>>
    tpu.enqueue_dma source(%dma_start3A_7 : memref<36x128xi32, #tpu.memory_space<hbm>>) target(%arg6 : memref<36x128xi32, #tpu.memory_space<vmem>>) target_semaphore(%arg13 : memref<!tpu.dma_semaphore, #tpu.memory_space<semaphore_mem>>)
    %dma_start3A_8 = arith.constant 0 : i32
    %dma_start3A_9 = arith.constant 0 : i32
    %dma_start3A_10 = tpu.memref_slice %arg4[%add3A, %dma_start3A_8, %dma_start3A_9] : memref<32x36x128xi32, #tpu.memory_space<hbm>> -> memref<1x36x128xi32, #tpu.memory_space<hbm>>
    %dma_start3A_11 = tpu.memref_squeeze %dma_start3A_10 : memref<1x36x128xi32, #tpu.memory_space<hbm>> -> memref<36x128xi32, #tpu.memory_space<hbm>>
    %dma_start3A_12 = arith.constant 0 : i32
    %dma_start3A_13 = arith.constant 0 : i32
    %dma_start3A_14 = tpu.memref_slice %arg4[%add3A, %dma_start3A_12, %dma_start3A_13] : memref<32x36x128xi32, #tpu.memory_space<hbm>> -> memref<1x36x128xi32, #tpu.memory_space<hbm>>
    %dma_start3A_15 = tpu.memref_squeeze %dma_start3A_14 : memref<1x36x128xi32, #tpu.memory_space<hbm>> -> memref<36x128xi32, #tpu.memory_space<hbm>>
    tpu.enqueue_dma source(%dma_start3A_15 : memref<36x128xi32, #tpu.memory_space<hbm>>) target(%arg7 : memref<36x128xi32, #tpu.memory_space<vmem>>) target_semaphore(%arg13 : memref<!tpu.dma_semaphore, #tpu.memory_space<semaphore_mem>>)
    %scan3A = arith.constant 0 : i32
    %scan3A_16 = arith.constant 0 : i32
    %scan3A_17 = arith.constant 128 : i32
    %scan3A_18 = arith.addi %scan3A_16, %scan3A_17 : i32
    %scan3A_19 = arith.constant 1 : i32
    scf.for %scan3A_154 = %scan3A_16 to %scan3A_18 step %scan3A_19  : i32 {
      %broadcast_in_dim3A = arith.constant 0.000000e+00 : f32
      %broadcast_in_dim3A_155 = vector.broadcast %broadcast_in_dim3A : f32 to vector<16xf32>
      %swap3A = arith.index_cast %scan3A_154 : i32 to index
      %swap3A_156 = arith.constant 0 : index
      %swap3A_157 = tpu.vector_load %arg8[%swap3A, %swap3A_156] {strides = array<i32>} : memref<128x128xf32, #tpu.memory_space<vmem>>, vector<1x16xf32>,
      %swap3A_158 = vector.shape_cast %swap3A_157 : vector<1x16xf32> to vector<16xf32>
      %swap3A_159 = vector.shape_cast %broadcast_in_dim3A_155 : vector<16xf32> to vector<1x16xf32>
      tpu.vector_store %arg8[%swap3A, %swap3A_156], %swap3A_159 {strides = array<i32>} : memref<128x128xf32, #tpu.memory_space<vmem>>, vector<1x16xf32>,
      %broadcast_in_dim3A_160 = arith.constant 0.000000e+00 : f32
      %broadcast_in_dim3A_161 = vector.broadcast %broadcast_in_dim3A_160 : f32 to vector<16xf32>
      %swap3A_162 = arith.index_cast %scan3A_154 : i32 to index
      %swap3A_163 = arith.constant 16 : index
      %swap3A_164 = tpu.vector_load %arg8[%swap3A_162, %swap3A_163] {strides = array<i32>} : memref<128x128xf32, #tpu.memory_space<vmem>>, vector<1x16xf32>,
      %swap3A_165 = vector.shape_cast %swap3A_164 : vector<1x16xf32> to vector<16xf32>
      %swap3A_166 = vector.shape_cast %broadcast_in_dim3A_161 : vector<16xf32> to vector<1x16xf32>
      tpu.vector_store %arg8[%swap3A_162, %swap3A_163], %swap3A_166 {strides = array<i32>} : memref<128x128xf32, #tpu.memory_space<vmem>>, vector<1x16xf32>,
      %broadcast_in_dim3A_167 = arith.constant 0.000000e+00 : f32
      %broadcast_in_dim3A_168 = vector.broadcast %broadcast_in_dim3A_167 : f32 to vector<16xf32>
      %swap3A_169 = arith.index_cast %scan3A_154 : i32 to index
      %swap3A_170 = arith.constant 32 : index
      %swap3A_171 = tpu.vector_load %arg8[%swap3A_169, %swap3A_170] {strides = array<i32>} : memref<128x128xf32, #tpu.memory_space<vmem>>, vector<1x16xf32>,
      %swap3A_172 = vector.shape_cast %swap3A_171 : vector<1x16xf32> to vector<16xf32>
      %swap3A_173 = vector.shape_cast %broadcast_in_dim3A_168 : vector<16xf32> to vector<1x16xf32>
      tpu.vector_store %arg8[%swap3A_169, %swap3A_170], %swap3A_173 {strides = array<i32>} : memref<128x128xf32, #tpu.memory_space<vmem>>, vector<1x16xf32>,
      %broadcast_in_dim3A_174 = arith.constant 0.000000e+00 : f32
      %broadcast_in_dim3A_175 = vector.broadcast %broadcast_in_dim3A_174 : f32 to vector<16xf32>
      %swap3A_176 = arith.index_cast %scan3A_154 : i32 to index
      %swap3A_177 = arith.constant 48 : index
      %swap3A_178 = tpu.vector_load %arg8[%swap3A_176, %swap3A_177] {strides = array<i32>} : memref<128x128xf32, #tpu.memory_space<vmem>>, vector<1x16xf32>,
      %swap3A_179 = vector.shape_cast %swap3A_178 : vector<1x16xf32> to vector<16xf32>
      %swap3A_180 = vector.shape_cast %broadcast_in_dim3A_175 : vector<16xf32> to vector<1x16xf32>
      tpu.vector_store %arg8[%swap3A_176, %swap3A_177], %swap3A_180 {strides = array<i32>} : memref<128x128xf32, #tpu.memory_space<vmem>>, vector<1x16xf32>,
      %broadcast_in_dim3A_181 = arith.constant 0.000000e+00 : f32
      %broadcast_in_dim3A_182 = vector.broadcast %broadcast_in_dim3A_181 : f32 to vector<16xf32>
      %swap3A_183 = arith.index_cast %scan3A_154 : i32 to index
      %swap3A_184 = arith.constant 64 : index
      %swap3A_185 = tpu.vector_load %arg8[%swap3A_183, %swap3A_184] {strides = array<i32>} : memref<128x128xf32, #tpu.memory_space<vmem>>, vector<1x16xf32>,
      %swap3A_186 = vector.shape_cast %swap3A_185 : vector<1x16xf32> to vector<16xf32>
      %swap3A_187 = vector.shape_cast %broadcast_in_dim3A_182 : vector<16xf32> to vector<1x16xf32>
      tpu.vector_store %arg8[%swap3A_183, %swap3A_184], %swap3A_187 {strides = array<i32>} : memref<128x128xf32, #tpu.memory_space<vmem>>, vector<1x16xf32>,
      %broadcast_in_dim3A_188 = arith.constant 0.000000e+00 : f32
      %broadcast_in_dim3A_189 = vector.broadcast %broadcast_in_dim3A_188 : f32 to vector<16xf32>
      %swap3A_190 = arith.index_cast %scan3A_154 : i32 to index
      %swap3A_191 = arith.constant 80 : index
      %swap3A_192 = tpu.vector_load %arg8[%swap3A_190, %swap3A_191] {strides = array<i32>} : memref<128x128xf32, #tpu.memory_space<vmem>>, vector<1x16xf32>,
      %swap3A_193 = vector.shape_cast %swap3A_192 : vector<1x16xf32> to vector<16xf32>
      %swap3A_194 = vector.shape_cast %broadcast_in_dim3A_189 : vector<16xf32> to vector<1x16xf32>
      tpu.vector_store %arg8[%swap3A_190, %swap3A_191], %swap3A_194 {strides = array<i32>} : memref<128x128xf32, #tpu.memory_space<vmem>>, vector<1x16xf32>,
      %broadcast_in_dim3A_195 = arith.constant 0.000000e+00 : f32
      %broadcast_in_dim3A_196 = vector.broadcast %broadcast_in_dim3A_195 : f32 to vector<16xf32>
      %swap3A_197 = arith.index_cast %scan3A_154 : i32 to index
      %swap3A_198 = arith.constant 96 : index
      %swap3A_199 = tpu.vector_load %arg8[%swap3A_197, %swap3A_198] {strides = array<i32>} : memref<128x128xf32, #tpu.memory_space<vmem>>, vector<1x16xf32>,
      %swap3A_200 = vector.shape_cast %swap3A_199 : vector<1x16xf32> to vector<16xf32>
      %swap3A_201 = vector.shape_cast %broadcast_in_dim3A_196 : vector<16xf32> to vector<1x16xf32>
      tpu.vector_store %arg8[%swap3A_197, %swap3A_198], %swap3A_201 {strides = array<i32>} : memref<128x128xf32, #tpu.memory_space<vmem>>, vector<1x16xf32>,
      %broadcast_in_dim3A_202 = arith.constant 0.000000e+00 : f32
      %broadcast_in_dim3A_203 = vector.broadcast %broadcast_in_dim3A_202 : f32 to vector<16xf32>
      %swap3A_204 = arith.index_cast %scan3A_154 : i32 to index
      %swap3A_205 = arith.constant 112 : index
      %swap3A_206 = tpu.vector_load %arg8[%swap3A_204, %swap3A_205] {strides = array<i32>} : memref<128x128xf32, #tpu.memory_space<vmem>>, vector<1x16xf32>,
      %swap3A_207 = vector.shape_cast %swap3A_206 : vector<1x16xf32> to vector<16xf32>
      %swap3A_208 = vector.shape_cast %broadcast_in_dim3A_203 : vector<16xf32> to vector<1x16xf32>
      tpu.vector_store %arg8[%swap3A_204, %swap3A_205], %swap3A_208 {strides = array<i32>} : memref<128x128xf32, #tpu.memory_space<vmem>>, vector<1x16xf32>,
    }
    %scan3A_20 = arith.constant 128 : i32
    %mul3A_21 = arith.constant 5 : i32
    %mul3A_22 = arith.muli %arg1, %mul3A_21 : i32
    %add3A_23 = arith.constant 0 : i32
    %add3A_24 = arith.addi %mul3A_22, %add3A_23 : i32
    %mul3A_25 = arith.constant 128 : i32
    %mul3A_26 = arith.muli %add3A_24, %mul3A_25 : i32
    %dma_start3A_27 = arith.constant 0 : i32
    %dma_start3A_28 = tpu.memref_slice %arg10[%mul3A_26, %dma_start3A_27] : memref<10240x128xf32, #tpu.memory_space<vmem_shared>> -> memref<128x128xf32, #tpu.memory_space<vmem_shared>>
    %dma_start3A_29 = arith.constant 0 : i32
    %dma_start3A_30 = tpu.memref_slice %arg10[%mul3A_26, %dma_start3A_29] : memref<10240x128xf32, #tpu.memory_space<vmem_shared>> -> memref<128x128xf32, #tpu.memory_space<vmem_shared>>
    tpu.enqueue_dma source(%arg8 : memref<128x128xf32, #tpu.memory_space<vmem>>) target(%dma_start3A_30 : memref<128x128xf32, #tpu.memory_space<vmem_shared>>) target_semaphore(%arg11 : memref<!tpu.dma_semaphore, #tpu.memory_space<semaphore_mem>>)
    %mul3A_31 = arith.constant 5 : i32
    %mul3A_32 = arith.muli %arg1, %mul3A_31 : i32
    %add3A_33 = arith.constant 1 : i32
    %add3A_34 = arith.addi %mul3A_32, %add3A_33 : i32
    %mul3A_35 = arith.constant 128 : i32
    %mul3A_36 = arith.muli %add3A_34, %mul3A_35 : i32
    %dma_start3A_37 = arith.constant 0 : i32
    %dma_start3A_38 = tpu.memref_slice %arg10[%mul3A_36, %dma_start3A_37] : memref<10240x128xf32, #tpu.memory_space<vmem_shared>> -> memref<128x128xf32, #tpu.memory_space<vmem_shared>>
    %dma_start3A_39 = arith.constant 0 : i32
    %dma_start3A_40 = tpu.memref_slice %arg10[%mul3A_36, %dma_start3A_39] : memref<10240x128xf32, #tpu.memory_space<vmem_shared>> -> memref<128x128xf32, #tpu.memory_space<vmem_shared>>
    tpu.enqueue_dma source(%arg8 : memref<128x128xf32, #tpu.memory_space<vmem>>) target(%dma_start3A_40 : memref<128x128xf32, #tpu.memory_space<vmem_shared>>) target_semaphore(%arg11 : memref<!tpu.dma_semaphore, #tpu.memory_space<semaphore_mem>>)
    %mul3A_41 = arith.constant 5 : i32
    %mul3A_42 = arith.muli %arg1, %mul3A_41 : i32
    %add3A_43 = arith.constant 2 : i32
    %add3A_44 = arith.addi %mul3A_42, %add3A_43 : i32
    %mul3A_45 = arith.constant 128 : i32
    %mul3A_46 = arith.muli %add3A_44, %mul3A_45 : i32
    %dma_start3A_47 = arith.constant 0 : i32
    %dma_start3A_48 = tpu.memref_slice %arg10[%mul3A_46, %dma_start3A_47] : memref<10240x128xf32, #tpu.memory_space<vmem_shared>> -> memref<128x128xf32, #tpu.memory_space<vmem_shared>>
    %dma_start3A_49 = arith.constant 0 : i32
    %dma_start3A_50 = tpu.memref_slice %arg10[%mul3A_46, %dma_start3A_49] : memref<10240x128xf32, #tpu.memory_space<vmem_shared>> -> memref<128x128xf32, #tpu.memory_space<vmem_shared>>
    tpu.enqueue_dma source(%arg8 : memref<128x128xf32, #tpu.memory_space<vmem>>) target(%dma_start3A_50 : memref<128x128xf32, #tpu.memory_space<vmem_shared>>) target_semaphore(%arg11 : memref<!tpu.dma_semaphore, #tpu.memory_space<semaphore_mem>>)
    %mul3A_51 = arith.constant 5 : i32
    %mul3A_52 = arith.muli %arg1, %mul3A_51 : i32
    %add3A_53 = arith.constant 3 : i32
    %add3A_54 = arith.addi %mul3A_52, %add3A_53 : i32
    %mul3A_55 = arith.constant 128 : i32
    %mul3A_56 = arith.muli %add3A_54, %mul3A_55 : i32
    %dma_start3A_57 = arith.constant 0 : i32
    %dma_start3A_58 = tpu.memref_slice %arg10[%mul3A_56, %dma_start3A_57] : memref<10240x128xf32, #tpu.memory_space<vmem_shared>> -> memref<128x128xf32, #tpu.memory_space<vmem_shared>>
    %dma_start3A_59 = arith.constant 0 : i32
    %dma_start3A_60 = tpu.memref_slice %arg10[%mul3A_56, %dma_start3A_59] : memref<10240x128xf32, #tpu.memory_space<vmem_shared>> -> memref<128x128xf32, #tpu.memory_space<vmem_shared>>
    tpu.enqueue_dma source(%arg8 : memref<128x128xf32, #tpu.memory_space<vmem>>) target(%dma_start3A_60 : memref<128x128xf32, #tpu.memory_space<vmem_shared>>) target_semaphore(%arg11 : memref<!tpu.dma_semaphore, #tpu.memory_space<semaphore_mem>>)
    %mul3A_61 = arith.constant 5 : i32
    %mul3A_62 = arith.muli %arg1, %mul3A_61 : i32
    %add3A_63 = arith.constant 4 : i32
    %add3A_64 = arith.addi %mul3A_62, %add3A_63 : i32
    %mul3A_65 = arith.constant 128 : i32
    %mul3A_66 = arith.muli %add3A_64, %mul3A_65 : i32
    %dma_start3A_67 = arith.constant 0 : i32
    %dma_start3A_68 = tpu.memref_slice %arg10[%mul3A_66, %dma_start3A_67] : memref<10240x128xf32, #tpu.memory_space<vmem_shared>> -> memref<128x128xf32, #tpu.memory_space<vmem_shared>>
    %dma_start3A_69 = arith.constant 0 : i32
    %dma_start3A_70 = tpu.memref_slice %arg10[%mul3A_66, %dma_start3A_69] : memref<10240x128xf32, #tpu.memory_space<vmem_shared>> -> memref<128x128xf32, #tpu.memory_space<vmem_shared>>
    tpu.enqueue_dma source(%arg8 : memref<128x128xf32, #tpu.memory_space<vmem>>) target(%dma_start3A_70 : memref<128x128xf32, #tpu.memory_space<vmem_shared>>) target_semaphore(%arg11 : memref<!tpu.dma_semaphore, #tpu.memory_space<semaphore_mem>>)
    %mul3A_71 = arith.constant 5 : i32
    %mul3A_72 = arith.muli %arg1, %mul3A_71 : i32
    %add3A_73 = arith.constant 0 : i32
    %add3A_74 = arith.addi %mul3A_72, %add3A_73 : i32
    %mul3A_75 = arith.constant 128 : i32
    %mul3A_76 = arith.muli %add3A_74, %mul3A_75 : i32
    %dma_wait3A = arith.constant 0 : i32
    %dma_wait3A_77 = tpu.memref_slice %arg10[%mul3A_76, %dma_wait3A] : memref<10240x128xf32, #tpu.memory_space<vmem_shared>> -> memref<128x128xf32, #tpu.memory_space<vmem_shared>>
    %dma_wait3A_78 = arith.constant 0 : i32
    %dma_wait3A_79 = tpu.memref_slice %arg10[%mul3A_76, %dma_wait3A_78] : memref<10240x128xf32, #tpu.memory_space<vmem_shared>> -> memref<128x128xf32, #tpu.memory_space<vmem_shared>>
    tpu.wait_dma2 semaphore(%arg11 : memref<!tpu.dma_semaphore, #tpu.memory_space<semaphore_mem>>) src(%arg8 : memref<128x128xf32, #tpu.memory_space<vmem>>) dst(%dma_wait3A_79 : memref<128x128xf32, #tpu.memory_space<vmem_shared>>)
    %mul3A_80 = arith.constant 5 : i32
    %mul3A_81 = arith.muli %arg1, %mul3A_80 : i32
    %add3A_82 = arith.constant 1 : i32
    %add3A_83 = arith.addi %mul3A_81, %add3A_82 : i32
    %mul3A_84 = arith.constant 128 : i32
    %mul3A_85 = arith.muli %add3A_83, %mul3A_84 : i32
    %dma_wait3A_86 = arith.constant 0 : i32
    %dma_wait3A_87 = tpu.memref_slice %arg10[%mul3A_85, %dma_wait3A_86] : memref<10240x128xf32, #tpu.memory_space<vmem_shared>> -> memref<128x128xf32, #tpu.memory_space<vmem_shared>>
    %dma_wait3A_88 = arith.constant 0 : i32
    %dma_wait3A_89 = tpu.memref_slice %arg10[%mul3A_85, %dma_wait3A_88] : memref<10240x128xf32, #tpu.memory_space<vmem_shared>> -> memref<128x128xf32, #tpu.memory_space<vmem_shared>>
    tpu.wait_dma2 semaphore(%arg11 : memref<!tpu.dma_semaphore, #tpu.memory_space<semaphore_mem>>) src(%arg8 : memref<128x128xf32, #tpu.memory_space<vmem>>) dst(%dma_wait3A_89 : memref<128x128xf32, #tpu.memory_space<vmem_shared>>)
    %mul3A_90 = arith.constant 5 : i32
    %mul3A_91 = arith.muli %arg1, %mul3A_90 : i32
    %add3A_92 = arith.constant 2 : i32
    %add3A_93 = arith.addi %mul3A_91, %add3A_92 : i32
    %mul3A_94 = arith.constant 128 : i32
    %mul3A_95 = arith.muli %add3A_93, %mul3A_94 : i32
    %dma_wait3A_96 = arith.constant 0 : i32
    %dma_wait3A_97 = tpu.memref_slice %arg10[%mul3A_95, %dma_wait3A_96] : memref<10240x128xf32, #tpu.memory_space<vmem_shared>> -> memref<128x128xf32, #tpu.memory_space<vmem_shared>>
    %dma_wait3A_98 = arith.constant 0 : i32
    %dma_wait3A_99 = tpu.memref_slice %arg10[%mul3A_95, %dma_wait3A_98] : memref<10240x128xf32, #tpu.memory_space<vmem_shared>> -> memref<128x128xf32, #tpu.memory_space<vmem_shared>>
    tpu.wait_dma2 semaphore(%arg11 : memref<!tpu.dma_semaphore, #tpu.memory_space<semaphore_mem>>) src(%arg8 : memref<128x128xf32, #tpu.memory_space<vmem>>) dst(%dma_wait3A_99 : memref<128x128xf32, #tpu.memory_space<vmem_shared>>)
    %mul3A_100 = arith.constant 5 : i32
    %mul3A_101 = arith.muli %arg1, %mul3A_100 : i32
    %add3A_102 = arith.constant 3 : i32
    %add3A_103 = arith.addi %mul3A_101, %add3A_102 : i32
    %mul3A_104 = arith.constant 128 : i32
    %mul3A_105 = arith.muli %add3A_103, %mul3A_104 : i32
    %dma_wait3A_106 = arith.constant 0 : i32
    %dma_wait3A_107 = tpu.memref_slice %arg10[%mul3A_105, %dma_wait3A_106] : memref<10240x128xf32, #tpu.memory_space<vmem_shared>> -> memref<128x128xf32, #tpu.memory_space<vmem_shared>>
    %dma_wait3A_108 = arith.constant 0 : i32
    %dma_wait3A_109 = tpu.memref_slice %arg10[%mul3A_105, %dma_wait3A_108] : memref<10240x128xf32, #tpu.memory_space<vmem_shared>> -> memref<128x128xf32, #tpu.memory_space<vmem_shared>>
    tpu.wait_dma2 semaphore(%arg11 : memref<!tpu.dma_semaphore, #tpu.memory_space<semaphore_mem>>) src(%arg8 : memref<128x128xf32, #tpu.memory_space<vmem>>) dst(%dma_wait3A_109 : memref<128x128xf32, #tpu.memory_space<vmem_shared>>)
    %mul3A_110 = arith.constant 5 : i32
    %mul3A_111 = arith.muli %arg1, %mul3A_110 : i32
    %add3A_112 = arith.constant 4 : i32
    %add3A_113 = arith.addi %mul3A_111, %add3A_112 : i32
    %mul3A_114 = arith.constant 128 : i32
    %mul3A_115 = arith.muli %add3A_113, %mul3A_114 : i32
    %dma_wait3A_116 = arith.constant 0 : i32
    %dma_wait3A_117 = tpu.memref_slice %arg10[%mul3A_115, %dma_wait3A_116] : memref<10240x128xf32, #tpu.memory_space<vmem_shared>> -> memref<128x128xf32, #tpu.memory_space<vmem_shared>>
    %dma_wait3A_118 = arith.constant 0 : i32
    %dma_wait3A_119 = tpu.memref_slice %arg10[%mul3A_115, %dma_wait3A_118] : memref<10240x128xf32, #tpu.memory_space<vmem_shared>> -> memref<128x128xf32, #tpu.memory_space<vmem_shared>>
    tpu.wait_dma2 semaphore(%arg11 : memref<!tpu.dma_semaphore, #tpu.memory_space<semaphore_mem>>) src(%arg8 : memref<128x128xf32, #tpu.memory_space<vmem>>) dst(%dma_wait3A_119 : memref<128x128xf32, #tpu.memory_space<vmem_shared>>)
    %dma_wait3A_120 = arith.constant 0 : i32
    %dma_wait3A_121 = arith.constant 0 : i32
    %dma_wait3A_122 = tpu.memref_slice %arg3[%add3A, %dma_wait3A_120, %dma_wait3A_121] : memref<32x36x128xi32, #tpu.memory_space<hbm>> -> memref<1x36x128xi32, #tpu.memory_space<hbm>>
    %dma_wait3A_123 = tpu.memref_squeeze %dma_wait3A_122 : memref<1x36x128xi32, #tpu.memory_space<hbm>> -> memref<36x128xi32, #tpu.memory_space<hbm>>
    %dma_wait3A_124 = arith.constant 0 : i32
    %dma_wait3A_125 = arith.constant 0 : i32
    %dma_wait3A_126 = tpu.memref_slice %arg3[%add3A, %dma_wait3A_124, %dma_wait3A_125] : memref<32x36x128xi32, #tpu.memory_space<hbm>> -> memref<1x36x128xi32, #tpu.memory_space<hbm>>
    %dma_wait3A_127 = tpu.memref_squeeze %dma_wait3A_126 : memref<1x36x128xi32, #tpu.memory_space<hbm>> -> memref<36x128xi32, #tpu.memory_space<hbm>>
    tpu.wait_dma2 semaphore(%arg13 : memref<!tpu.dma_semaphore, #tpu.memory_space<semaphore_mem>>) src(%dma_wait3A_127 : memref<36x128xi32, #tpu.memory_space<hbm>>) dst(%arg6 : memref<36x128xi32, #tpu.memory_space<vmem>>)
    %dma_wait3A_128 = arith.constant 0 : i32
    %dma_wait3A_129 = arith.constant 0 : i32
    %dma_wait3A_130 = tpu.memref_slice %arg4[%add3A, %dma_wait3A_128, %dma_wait3A_129] : memref<32x36x128xi32, #tpu.memory_space<hbm>> -> memref<1x36x128xi32, #tpu.memory_space<hbm>>
    %dma_wait3A_131 = tpu.memref_squeeze %dma_wait3A_130 : memref<1x36x128xi32, #tpu.memory_space<hbm>> -> memref<36x128xi32, #tpu.memory_space<hbm>>
    %dma_wait3A_132 = arith.constant 0 : i32
    %dma_wait3A_133 = arith.constant 0 : i32
    %dma_wait3A_134 = tpu.memref_slice %arg4[%add3A, %dma_wait3A_132, %dma_wait3A_133] : memref<32x36x128xi32, #tpu.memory_space<hbm>> -> memref<1x36x128xi32, #tpu.memory_space<hbm>>
    %dma_wait3A_135 = tpu.memref_squeeze %dma_wait3A_134 : memref<1x36x128xi32, #tpu.memory_space<hbm>> -> memref<36x128xi32, #tpu.memory_space<hbm>>
    tpu.wait_dma2 semaphore(%arg13 : memref<!tpu.dma_semaphore, #tpu.memory_space<semaphore_mem>>) src(%dma_wait3A_135 : memref<36x128xi32, #tpu.memory_space<hbm>>) dst(%arg7 : memref<36x128xi32, #tpu.memory_space<vmem>>)
    %dma_start3A_136 = arith.constant 0 : i32
    %dma_start3A_137 = arith.constant 0 : i32
    %dma_start3A_138 = tpu.memref_slice %arg6[%dma_start3A_136, %dma_start3A_137] : memref<36x128xi32, #tpu.memory_space<vmem>> -> memref<1x128xi32, #tpu.memory_space<vmem>>
    %dma_start3A_139 = tpu.memref_squeeze %dma_start3A_138 : memref<1x128xi32, #tpu.memory_space<vmem>> -> memref<128xi32, #tpu.memory_space<vmem>>
    %dma_start3A_140 = arith.constant 0 : i32
    %dma_start3A_141 = arith.constant 0 : i32
    %dma_start3A_142 = tpu.memref_slice %arg2[%dma_start3A_140, %dma_start3A_141] : memref<120000x128xf32, #tpu.memory_space<hbm>> -> memref<120000x128xf32, #tpu.memory_space<hbm>>
    tpu.enqueue_indirect_dma source(%dma_start3A_142 : memref<120000x128xf32, #tpu.memory_space<hbm>>) target(%arg8 : memref<128x128xf32, #tpu.memory_space<vmem>>) offsets(%dma_start3A_139 : memref<128xi32, #tpu.memory_space<vmem>>) semaphore(%arg11 : memref<!tpu.dma_semaphore, #tpu.memory_space<semaphore_mem>>)
    %barrier3A = arith.constant 0 : index
    tpu.barrier barrier_id(%barrier3A)
    %scan3A_143 = arith.constant 0 : i32
    %scan3A_144 = arith.constant 0 : i32
    %scan3A_145 = arith.constant 18 : i32
    %scan3A_146 = arith.addi %scan3A_144, %scan3A_145 : i32
    %scan3A_147 = arith.constant 1 : i32
    scf.for %scan3A_154 = %scan3A_144 to %scan3A_146 step %scan3A_147  : i32 {
      %mul3A_155 = arith.constant 2 : i32
      %mul3A_156 = arith.muli %mul3A_155, %scan3A_154 : i32
      %mul3A_157 = arith.constant 2 : i32
      %mul3A_158 = arith.muli %mul3A_157, %scan3A_154 : i32
      %add3A_159 = arith.constant 1 : i32
      %add3A_160 = arith.addi %mul3A_158, %add3A_159 : i32
      %dma_wait3A_161 = arith.constant 0 : i32
      %dma_wait3A_162 = tpu.memref_slice %arg6[%mul3A_156, %dma_wait3A_161] : memref<36x128xi32, #tpu.memory_space<vmem>> -> memref<1x128xi32, #tpu.memory_space<vmem>>
      %dma_wait3A_163 = tpu.memref_squeeze %dma_wait3A_162 : memref<1x128xi32, #tpu.memory_space<vmem>> -> memref<128xi32, #tpu.memory_space<vmem>>
      %dma_wait3A_164 = arith.constant 0 : i32
      %dma_wait3A_165 = arith.constant 0 : i32
      %dma_wait3A_166 = tpu.memref_slice %arg2[%dma_wait3A_164, %dma_wait3A_165] : memref<120000x128xf32, #tpu.memory_space<hbm>> -> memref<120000x128xf32, #tpu.memory_space<hbm>>
      tpu.wait_indirect_dma semaphore(%arg11 : memref<!tpu.dma_semaphore, #tpu.memory_space<semaphore_mem>>) src(%dma_wait3A_166 : memref<120000x128xf32, #tpu.memory_space<hbm>>) dst(%arg8 : memref<128x128xf32, #tpu.memory_space<vmem>>)
      %dma_start3A_167 = arith.constant 0 : i32
      %dma_start3A_168 = tpu.memref_slice %arg6[%add3A_160, %dma_start3A_167] : memref<36x128xi32, #tpu.memory_space<vmem>> -> memref<1x128xi32, #tpu.memory_space<vmem>>
      %dma_start3A_169 = tpu.memref_squeeze %dma_start3A_168 : memref<1x128xi32, #tpu.memory_space<vmem>> -> memref<128xi32, #tpu.memory_space<vmem>>
      %dma_start3A_170 = arith.constant 0 : i32
      %dma_start3A_171 = arith.constant 0 : i32
      %dma_start3A_172 = tpu.memref_slice %arg2[%dma_start3A_170, %dma_start3A_171] : memref<120000x128xf32, #tpu.memory_space<hbm>> -> memref<120000x128xf32, #tpu.memory_space<hbm>>
      tpu.enqueue_indirect_dma source(%dma_start3A_172 : memref<120000x128xf32, #tpu.memory_space<hbm>>) target(%arg9 : memref<128x128xf32, #tpu.memory_space<vmem>>) offsets(%dma_start3A_169 : memref<128xi32, #tpu.memory_space<vmem>>) semaphore(%arg12 : memref<!tpu.dma_semaphore, #tpu.memory_space<semaphore_mem>>)
      "tpu.region"() ({
        %run_scoped3A = tpu.sem_alloc : memref<!tpu.dma_semaphore, #tpu.memory_space<semaphore_mem>>
        %dma_start3A_183 = arith.constant 0 : i32
        %dma_start3A_184 = tpu.memref_slice %arg7[%mul3A_156, %dma_start3A_183] : memref<36x128xi32, #tpu.memory_space<vmem>> -> memref<1x128xi32, #tpu.memory_space<vmem>>
        %dma_start3A_185 = tpu.memref_squeeze %dma_start3A_184 : memref<1x128xi32, #tpu.memory_space<vmem>> -> memref<128xi32, #tpu.memory_space<vmem>>
        %dma_start3A_186 = arith.constant 0 : i32
        %dma_start3A_187 = arith.constant 0 : i32
        %dma_start3A_188 = tpu.memref_slice %arg10[%dma_start3A_186, %dma_start3A_187] : memref<10240x128xf32, #tpu.memory_space<vmem_shared>> -> memref<10240x128xf32, #tpu.memory_space<vmem_shared>>
        tpu.enqueue_indirect_dma source(%arg8 : memref<128x128xf32, #tpu.memory_space<vmem>>) target(%dma_start3A_188 : memref<10240x128xf32, #tpu.memory_space<vmem_shared>>) offsets(%dma_start3A_185 : memref<128xi32, #tpu.memory_space<vmem>>) semaphore(%run_scoped3A : memref<!tpu.dma_semaphore, #tpu.memory_space<semaphore_mem>>) {add = true}
        %dma_wait3A_189 = arith.constant 0 : i32
        %dma_wait3A_190 = tpu.memref_slice %arg7[%mul3A_156, %dma_wait3A_189] : memref<36x128xi32, #tpu.memory_space<vmem>> -> memref<1x128xi32, #tpu.memory_space<vmem>>
        %dma_wait3A_191 = tpu.memref_squeeze %dma_wait3A_190 : memref<1x128xi32, #tpu.memory_space<vmem>> -> memref<128xi32, #tpu.memory_space<vmem>>
        %dma_wait3A_192 = arith.constant 0 : i32
        %dma_wait3A_193 = arith.constant 0 : i32
        %dma_wait3A_194 = tpu.memref_slice %arg10[%dma_wait3A_192, %dma_wait3A_193] : memref<10240x128xf32, #tpu.memory_space<vmem_shared>> -> memref<10240x128xf32, #tpu.memory_space<vmem_shared>>
        tpu.wait_indirect_dma semaphore(%run_scoped3A : memref<!tpu.dma_semaphore, #tpu.memory_space<semaphore_mem>>) src(%arg8 : memref<128x128xf32, #tpu.memory_space<vmem>>) dst(%dma_wait3A_194 : memref<10240x128xf32, #tpu.memory_space<vmem_shared>>)
        tpu.yield
      }) : () -> ()
      %dma_wait3A_173 = arith.constant 0 : i32
      %dma_wait3A_174 = tpu.memref_slice %arg6[%add3A_160, %dma_wait3A_173] : memref<36x128xi32, #tpu.memory_space<vmem>> -> memref<1x128xi32, #tpu.memory_space<vmem>>
      %dma_wait3A_175 = tpu.memref_squeeze %dma_wait3A_174 : memref<1x128xi32, #tpu.memory_space<vmem>> -> memref<128xi32, #tpu.memory_space<vmem>>
      %dma_wait3A_176 = arith.constant 0 : i32
      %dma_wait3A_177 = arith.constant 0 : i32
      %dma_wait3A_178 = tpu.memref_slice %arg2[%dma_wait3A_176, %dma_wait3A_177] : memref<120000x128xf32, #tpu.memory_space<hbm>> -> memref<120000x128xf32, #tpu.memory_space<hbm>>
      tpu.wait_indirect_dma semaphore(%arg12 : memref<!tpu.dma_semaphore, #tpu.memory_space<semaphore_mem>>) src(%dma_wait3A_178 : memref<120000x128xf32, #tpu.memory_space<hbm>>) dst(%arg9 : memref<128x128xf32, #tpu.memory_space<vmem>>)
      %add3A_179 = arith.constant 1 : i32
      %add3A_180 = arith.addi %add3A_160, %add3A_179 : i32
      %lt3A = arith.constant 36 : i32
      %lt3A_181 = arith.cmpi slt, %add3A_180, %lt3A : i32
      %convert_element_type3A = arith.extui %lt3A_181 : i1 to i32
      %cond3A = arith.constant 0 : i32
      %cond3A_182 = arith.cmpi ne, %convert_element_type3A, %cond3A : i32
      scf.if %cond3A_182 {
        %add3A_183 = arith.constant 1 : i32
        %add3A_184 = arith.addi %add3A_160, %add3A_183 : i32
        %dma_start3A_185 = arith.constant 0 : i32
        %dma_start3A_186 = tpu.memref_slice %arg6[%add3A_184, %dma_start3A_185] : memref<36x128xi32, #tpu.memory_space<vmem>> -> memref<1x128xi32, #tpu.memory_space<vmem>>
        %dma_start3A_187 = tpu.memref_squeeze %dma_start3A_186 : memref<1x128xi32, #tpu.memory_space<vmem>> -> memref<128xi32, #tpu.memory_space<vmem>>
        %dma_start3A_188 = arith.constant 0 : i32
        %dma_start3A_189 = arith.constant 0 : i32
        %dma_start3A_190 = tpu.memref_slice %arg2[%dma_start3A_188, %dma_start3A_189] : memref<120000x128xf32, #tpu.memory_space<hbm>> -> memref<120000x128xf32, #tpu.memory_space<hbm>>
        tpu.enqueue_indirect_dma source(%dma_start3A_190 : memref<120000x128xf32, #tpu.memory_space<hbm>>) target(%arg8 : memref<128x128xf32, #tpu.memory_space<vmem>>) offsets(%dma_start3A_187 : memref<128xi32, #tpu.memory_space<vmem>>) semaphore(%arg11 : memref<!tpu.dma_semaphore, #tpu.memory_space<semaphore_mem>>)
      } else {
      }
      "tpu.region"() ({
        %run_scoped3A = tpu.sem_alloc : memref<!tpu.dma_semaphore, #tpu.memory_space<semaphore_mem>>
        %dma_start3A_183 = arith.constant 0 : i32
        %dma_start3A_184 = tpu.memref_slice %arg7[%add3A_160, %dma_start3A_183] : memref<36x128xi32, #tpu.memory_space<vmem>> -> memref<1x128xi32, #tpu.memory_space<vmem>>
        %dma_start3A_185 = tpu.memref_squeeze %dma_start3A_184 : memref<1x128xi32, #tpu.memory_space<vmem>> -> memref<128xi32, #tpu.memory_space<vmem>>
        %dma_start3A_186 = arith.constant 0 : i32
        %dma_start3A_187 = arith.constant 0 : i32
        %dma_start3A_188 = tpu.memref_slice %arg10[%dma_start3A_186, %dma_start3A_187] : memref<10240x128xf32, #tpu.memory_space<vmem_shared>> -> memref<10240x128xf32, #tpu.memory_space<vmem_shared>>
        tpu.enqueue_indirect_dma source(%arg9 : memref<128x128xf32, #tpu.memory_space<vmem>>) target(%dma_start3A_188 : memref<10240x128xf32, #tpu.memory_space<vmem_shared>>) offsets(%dma_start3A_185 : memref<128xi32, #tpu.memory_space<vmem>>) semaphore(%run_scoped3A : memref<!tpu.dma_semaphore, #tpu.memory_space<semaphore_mem>>) {add = true}
        %dma_wait3A_189 = arith.constant 0 : i32
        %dma_wait3A_190 = tpu.memref_slice %arg7[%add3A_160, %dma_wait3A_189] : memref<36x128xi32, #tpu.memory_space<vmem>> -> memref<1x128xi32, #tpu.memory_space<vmem>>
        %dma_wait3A_191 = tpu.memref_squeeze %dma_wait3A_190 : memref<1x128xi32, #tpu.memory_space<vmem>> -> memref<128xi32, #tpu.memory_space<vmem>>
        %dma_wait3A_192 = arith.constant 0 : i32
        %dma_wait3A_193 = arith.constant 0 : i32
        %dma_wait3A_194 = tpu.memref_slice %arg10[%dma_wait3A_192, %dma_wait3A_193] : memref<10240x128xf32, #tpu.memory_space<vmem_shared>> -> memref<10240x128xf32, #tpu.memory_space<vmem_shared>>
        tpu.wait_indirect_dma semaphore(%run_scoped3A : memref<!tpu.dma_semaphore, #tpu.memory_space<semaphore_mem>>) src(%arg9 : memref<128x128xf32, #tpu.memory_space<vmem>>) dst(%dma_wait3A_194 : memref<10240x128xf32, #tpu.memory_space<vmem_shared>>)
        tpu.yield
      }) : () -> ()
    }
    %scan3A_148 = arith.constant 18 : i32
    %barrier3A_149 = arith.constant 0 : index
    tpu.barrier barrier_id(%barrier3A_149)
    %mul3A_150 = arith.constant 640 : i32
    %mul3A_151 = arith.muli %arg1, %mul3A_150 : i32
    %mul3A_152 = arith.constant 640 : i32
    %mul3A_153 = arith.muli %arg1, %mul3A_152 : i32
    "tpu.region"() ({
      %run_scoped3A = tpu.sem_alloc : memref<!tpu.dma_semaphore, #tpu.memory_space<semaphore_mem>>
      %dma_start3A_154 = arith.constant 0 : i32
      %dma_start3A_155 = tpu.memref_slice %arg5[%arg0, %mul3A_153, %dma_start3A_154] : memref<2x10240x128xf32, #tpu.memory_space<hbm>> -> memref<1x640x128xf32, #tpu.memory_space<hbm>>
      %dma_start3A_156 = tpu.memref_squeeze %dma_start3A_155 : memref<1x640x128xf32, #tpu.memory_space<hbm>> -> memref<640x128xf32, #tpu.memory_space<hbm>>
      %dma_start3A_157 = arith.constant 0 : i32
      %dma_start3A_158 = tpu.memref_slice %arg10[%mul3A_151, %dma_start3A_157] : memref<10240x128xf32, #tpu.memory_space<vmem_shared>> -> memref<640x128xf32, #tpu.memory_space<vmem_shared>>
      tpu.enqueue_dma source(%dma_start3A_158 : memref<640x128xf32, #tpu.memory_space<vmem_shared>>) target(%dma_start3A_156 : memref<640x128xf32, #tpu.memory_space<hbm>>) target_semaphore(%run_scoped3A : memref<!tpu.dma_semaphore, #tpu.memory_space<semaphore_mem>>)
      %dma_wait3A_159 = arith.constant 0 : i32
      %dma_wait3A_160 = tpu.memref_slice %arg5[%arg0, %mul3A_153, %dma_wait3A_159] : memref<2x10240x128xf32, #tpu.memory_space<hbm>> -> memref<1x640x128xf32, #tpu.memory_space<hbm>>
      %dma_wait3A_161 = tpu.memref_squeeze %dma_wait3A_160 : memref<1x640x128xf32, #tpu.memory_space<hbm>> -> memref<640x128xf32, #tpu.memory_space<hbm>>
      %dma_wait3A_162 = arith.constant 0 : i32
      %dma_wait3A_163 = tpu.memref_slice %arg10[%mul3A_151, %dma_wait3A_162] : memref<10240x128xf32, #tpu.memory_space<vmem_shared>> -> memref<640x128xf32, #tpu.memory_space<vmem_shared>>
      tpu.wait_dma2 semaphore(%run_scoped3A : memref<!tpu.dma_semaphore, #tpu.memory_space<semaphore_mem>>) src(%dma_wait3A_163 : memref<640x128xf32, #tpu.memory_space<vmem_shared>>) dst(%dma_wait3A_161 : memref<640x128xf32, #tpu.memory_space<hbm>>)
      tpu.yield
    }) : () -> ()
    return
  }
}

module attributes {stable_mosaic.version = 14 : i64} {
  func.func @_matmul_body(%arg0: i32, %arg1: i32, %arg2: memref<10000x128xbf16, #tpu.memory_space<vmem>>, %arg3: memref<1x128x128xbf16, #tpu.memory_space<vmem>>, %arg4: memref<1x10000x128xf32, #tpu.memory_space<vmem>>) attributes {dimension_semantics = [#tpu.dimension_semantics<arbitrary>, #tpu.dimension_semantics<arbitrary>], iteration_bounds = array<i64: 1, 4>, scalar_prefetch = 0 : i64, scratch_operands = 0 : i64, tpu.core_type = #tpu.core_type<tc>, window_params = [{transform_indices = @transform_0, window_bounds = array<i64: 10000, 128>}, {transform_indices = @transform_1, window_bounds = array<i64: 1, 128, 128>}, {transform_indices = @transform_2, window_bounds = array<i64: 1, 10000, 128>}]} {
    %get3A = arith.constant 0 : index
    %get3A_0 = arith.constant 0 : index
    %get3A_1 = vector.load %arg2[%get3A, %get3A_0] : memref<10000x128xbf16, #tpu.memory_space<vmem>>, vector<10000x128xbf16>
    %get3A_2 = arith.constant 0 : index
    %get3A_3 = arith.constant 0 : index
    %get3A_4 = arith.constant 0 : index
    %get3A_5 = vector.load %arg3[%get3A_2, %get3A_3, %get3A_4] : memref<1x128x128xbf16, #tpu.memory_space<vmem>>, vector<1x128x128xbf16>
    %get3A_6 = vector.shape_cast %get3A_5 : vector<1x128x128xbf16> to vector<128x128xbf16>
    %dot_general3A = arith.constant dense<0.000000e+00> : vector<10000x128xf32>
    %dot_general3A_7 = tpu.matmul %get3A_1, %get3A_6, %dot_general3A {dimension_numbers = #tpu.dot_dimension_numbers<[1], [0], [0], [1], [0, 0, 1, 1], [], []>, transpose_lhs_hint = false} : vector<10000x128xbf16>, vector<128x128xbf16>, vector<10000x128xf32> -> vector<10000x128xf32>
    %swap3A = arith.constant 0 : index
    %swap3A_8 = arith.constant 0 : index
    %swap3A_9 = arith.constant 0 : index
    %swap3A_10 = vector.load %arg4[%swap3A, %swap3A_8, %swap3A_9] : memref<1x10000x128xf32, #tpu.memory_space<vmem>>, vector<1x10000x128xf32>
    %swap3A_11 = vector.shape_cast %swap3A_10 : vector<1x10000x128xf32> to vector<10000x128xf32>
    %swap3A_12 = vector.shape_cast %dot_general3A_7 : vector<10000x128xf32> to vector<1x10000x128xf32>
    tpu.vector_store %arg4[%swap3A, %swap3A_8, %swap3A_9], %swap3A_12 {strides = array<i32>} : memref<1x10000x128xf32, #tpu.memory_space<vmem>>, vector<1x10000x128xf32>,
    return
  }
  func.func @transform_0(%arg0: i32, %arg1: i32) -> (i32, i32) {
    %c0_i32 = arith.constant 0 : i32
    %c0_i32_0 = arith.constant 0 : i32
    return %arg0, %c0_i32 : i32, i32
  }
  func.func @transform_1(%arg0: i32, %arg1: i32) -> (i32, i32, i32) {
    %c0_i32 = arith.constant 0 : i32
    %c0_i32_0 = arith.constant 0 : i32
    %c0_i32_1 = arith.constant 0 : i32
    return %arg1, %c0_i32, %c0_i32_0 : i32, i32, i32
  }
  func.func @transform_2(%arg0: i32, %arg1: i32) -> (i32, i32, i32) {
    %c0_i32 = arith.constant 0 : i32
    %c0_i32_0 = arith.constant 0 : i32
    return %arg1, %arg0, %c0_i32 : i32, i32, i32
  }
}

module attributes {stable_mosaic.version = 14 : i64} {
  func.func @_matmul_body(%arg0: i32, %arg1: i32, %arg2: memref<10000x128xbf16, #tpu.memory_space<vmem>>, %arg3: memref<1x128x128xbf16, #tpu.memory_space<vmem>>, %arg4: memref<1x10000x128xf32, #tpu.memory_space<vmem>>) attributes {dimension_semantics = [#tpu.dimension_semantics<arbitrary>, #tpu.dimension_semantics<arbitrary>], iteration_bounds = array<i64: 1, 11>, scalar_prefetch = 0 : i64, scratch_operands = 0 : i64, tpu.core_type = #tpu.core_type<tc>, window_params = [{transform_indices = @transform_0, window_bounds = array<i64: 10000, 128>}, {transform_indices = @transform_1, window_bounds = array<i64: 1, 128, 128>}, {transform_indices = @transform_2, window_bounds = array<i64: 1, 10000, 128>}]} {
    %get3A = arith.constant 0 : index
    %get3A_0 = arith.constant 0 : index
    %get3A_1 = vector.load %arg2[%get3A, %get3A_0] : memref<10000x128xbf16, #tpu.memory_space<vmem>>, vector<10000x128xbf16>
    %get3A_2 = arith.constant 0 : index
    %get3A_3 = arith.constant 0 : index
    %get3A_4 = arith.constant 0 : index
    %get3A_5 = vector.load %arg3[%get3A_2, %get3A_3, %get3A_4] : memref<1x128x128xbf16, #tpu.memory_space<vmem>>, vector<1x128x128xbf16>
    %get3A_6 = vector.shape_cast %get3A_5 : vector<1x128x128xbf16> to vector<128x128xbf16>
    %dot_general3A = arith.constant dense<0.000000e+00> : vector<10000x128xf32>
    %dot_general3A_7 = tpu.matmul %get3A_1, %get3A_6, %dot_general3A {dimension_numbers = #tpu.dot_dimension_numbers<[1], [0], [0], [1], [0, 0, 1, 1], [], []>, transpose_lhs_hint = false} : vector<10000x128xbf16>, vector<128x128xbf16>, vector<10000x128xf32> -> vector<10000x128xf32>
    %swap3A = arith.constant 0 : index
    %swap3A_8 = arith.constant 0 : index
    %swap3A_9 = arith.constant 0 : index
    %swap3A_10 = vector.load %arg4[%swap3A, %swap3A_8, %swap3A_9] : memref<1x10000x128xf32, #tpu.memory_space<vmem>>, vector<1x10000x128xf32>
    %swap3A_11 = vector.shape_cast %swap3A_10 : vector<1x10000x128xf32> to vector<10000x128xf32>
    %swap3A_12 = vector.shape_cast %dot_general3A_7 : vector<10000x128xf32> to vector<1x10000x128xf32>
    tpu.vector_store %arg4[%swap3A, %swap3A_8, %swap3A_9], %swap3A_12 {strides = array<i32>} : memref<1x10000x128xf32, #tpu.memory_space<vmem>>, vector<1x10000x128xf32>,
    return
  }
  func.func @transform_0(%arg0: i32, %arg1: i32) -> (i32, i32) {
    %c0_i32 = arith.constant 0 : i32
    %c0_i32_0 = arith.constant 0 : i32
    return %arg0, %c0_i32 : i32, i32
  }
  func.func @transform_1(%arg0: i32, %arg1: i32) -> (i32, i32, i32) {
    %c0_i32 = arith.constant 0 : i32
    %c0_i32_0 = arith.constant 0 : i32
    %c0_i32_1 = arith.constant 0 : i32
    return %arg1, %c0_i32, %c0_i32_0 : i32, i32, i32
  }
  func.func @transform_2(%arg0: i32, %arg1: i32) -> (i32, i32, i32) {
    %c0_i32 = arith.constant 0 : i32
    %c0_i32_0 = arith.constant 0 : i32
    return %arg1, %arg0, %c0_i32 : i32, i32, i32
  }
}

module attributes {stable_mosaic.version = 14 : i64} {
  func.func @_matmul_body(%arg0: i32, %arg1: i32, %arg2: memref<10000x128xbf16, #tpu.memory_space<vmem>>, %arg3: memref<1x128x128xbf16, #tpu.memory_space<vmem>>, %arg4: memref<1x10000x128xf32, #tpu.memory_space<vmem>>) attributes {dimension_semantics = [#tpu.dimension_semantics<arbitrary>, #tpu.dimension_semantics<arbitrary>], iteration_bounds = array<i64: 1, 12>, scalar_prefetch = 0 : i64, scratch_operands = 0 : i64, tpu.core_type = #tpu.core_type<tc>, window_params = [{transform_indices = @transform_0, window_bounds = array<i64: 10000, 128>}, {transform_indices = @transform_1, window_bounds = array<i64: 1, 128, 128>}, {transform_indices = @transform_2, window_bounds = array<i64: 1, 10000, 128>}]} {
    %get3A = arith.constant 0 : index
    %get3A_0 = arith.constant 0 : index
    %get3A_1 = vector.load %arg2[%get3A, %get3A_0] : memref<10000x128xbf16, #tpu.memory_space<vmem>>, vector<10000x128xbf16>
    %get3A_2 = arith.constant 0 : index
    %get3A_3 = arith.constant 0 : index
    %get3A_4 = arith.constant 0 : index
    %get3A_5 = vector.load %arg3[%get3A_2, %get3A_3, %get3A_4] : memref<1x128x128xbf16, #tpu.memory_space<vmem>>, vector<1x128x128xbf16>
    %get3A_6 = vector.shape_cast %get3A_5 : vector<1x128x128xbf16> to vector<128x128xbf16>
    %dot_general3A = arith.constant dense<0.000000e+00> : vector<10000x128xf32>
    %dot_general3A_7 = tpu.matmul %get3A_1, %get3A_6, %dot_general3A {dimension_numbers = #tpu.dot_dimension_numbers<[1], [0], [0], [1], [0, 0, 1, 1], [], []>, transpose_lhs_hint = false} : vector<10000x128xbf16>, vector<128x128xbf16>, vector<10000x128xf32> -> vector<10000x128xf32>
    %swap3A = arith.constant 0 : index
    %swap3A_8 = arith.constant 0 : index
    %swap3A_9 = arith.constant 0 : index
    %swap3A_10 = vector.load %arg4[%swap3A, %swap3A_8, %swap3A_9] : memref<1x10000x128xf32, #tpu.memory_space<vmem>>, vector<1x10000x128xf32>
    %swap3A_11 = vector.shape_cast %swap3A_10 : vector<1x10000x128xf32> to vector<10000x128xf32>
    %swap3A_12 = vector.shape_cast %dot_general3A_7 : vector<10000x128xf32> to vector<1x10000x128xf32>
    tpu.vector_store %arg4[%swap3A, %swap3A_8, %swap3A_9], %swap3A_12 {strides = array<i32>} : memref<1x10000x128xf32, #tpu.memory_space<vmem>>, vector<1x10000x128xf32>,
    return
  }
  func.func @transform_0(%arg0: i32, %arg1: i32) -> (i32, i32) {
    %c0_i32 = arith.constant 0 : i32
    %c0_i32_0 = arith.constant 0 : i32
    return %arg0, %c0_i32 : i32, i32
  }
  func.func @transform_1(%arg0: i32, %arg1: i32) -> (i32, i32, i32) {
    %c0_i32 = arith.constant 0 : i32
    %c0_i32_0 = arith.constant 0 : i32
    %c0_i32_1 = arith.constant 0 : i32
    return %arg1, %c0_i32, %c0_i32_0 : i32, i32, i32
  }
  func.func @transform_2(%arg0: i32, %arg1: i32) -> (i32, i32, i32) {
    %c0_i32 = arith.constant 0 : i32
    %c0_i32_0 = arith.constant 0 : i32
    return %arg1, %arg0, %c0_i32 : i32, i32, i32
  }
}

module attributes {stable_mosaic.version = 14 : i64} {
  func.func @_combine2_body(%arg0: i32, %arg1: memref<2x5000x128xf32, #tpu.memory_space<vmem>>, %arg2: memref<2x5000x128xf32, #tpu.memory_space<vmem>>, %arg3: memref<5000x128xf32, #tpu.memory_space<vmem>>) attributes {dimension_semantics = [#tpu.dimension_semantics<arbitrary>], iteration_bounds = array<i64: 2>, scalar_prefetch = 0 : i64, scratch_operands = 0 : i64, tpu.core_type = #tpu.core_type<tc>, window_params = [{transform_indices = @transform_0, window_bounds = array<i64: 2, 5000, 128>}, {transform_indices = @transform_1, window_bounds = array<i64: 2, 5000, 128>}, {transform_indices = @transform_2, window_bounds = array<i64: 5000, 128>}]} {
    %get3A = arith.constant 0 : index
    %get3A_0 = arith.constant 0 : index
    %get3A_1 = arith.constant 0 : index
    %get3A_2 = vector.load %arg1[%get3A, %get3A_0, %get3A_1] : memref<2x5000x128xf32, #tpu.memory_space<vmem>>, vector<1x5000x128xf32>
    %get3A_3 = vector.shape_cast %get3A_2 : vector<1x5000x128xf32> to vector<5000x128xf32>
    %get3A_4 = arith.constant 1 : index
    %get3A_5 = arith.constant 0 : index
    %get3A_6 = arith.constant 0 : index
    %get3A_7 = vector.load %arg1[%get3A_4, %get3A_5, %get3A_6] : memref<2x5000x128xf32, #tpu.memory_space<vmem>>, vector<1x5000x128xf32>
    %get3A_8 = vector.shape_cast %get3A_7 : vector<1x5000x128xf32> to vector<5000x128xf32>
    %add3A = arith.addf %get3A_3, %get3A_8 : vector<5000x128xf32>
    %get3A_9 = arith.constant 0 : index
    %get3A_10 = arith.constant 0 : index
    %get3A_11 = arith.constant 0 : index
    %get3A_12 = vector.load %arg2[%get3A_9, %get3A_10, %get3A_11] : memref<2x5000x128xf32, #tpu.memory_space<vmem>>, vector<1x5000x128xf32>
    %get3A_13 = vector.shape_cast %get3A_12 : vector<1x5000x128xf32> to vector<5000x128xf32>
    %add3A_14 = arith.addf %add3A, %get3A_13 : vector<5000x128xf32>
    %get3A_15 = arith.constant 1 : index
    %get3A_16 = arith.constant 0 : index
    %get3A_17 = arith.constant 0 : index
    %get3A_18 = vector.load %arg2[%get3A_15, %get3A_16, %get3A_17] : memref<2x5000x128xf32, #tpu.memory_space<vmem>>, vector<1x5000x128xf32>
    %get3A_19 = vector.shape_cast %get3A_18 : vector<1x5000x128xf32> to vector<5000x128xf32>
    %add3A_20 = arith.addf %add3A_14, %get3A_19 : vector<5000x128xf32>
    %swap3A = arith.constant 0 : index
    %swap3A_21 = arith.constant 0 : index
    %swap3A_22 = vector.load %arg3[%swap3A, %swap3A_21] : memref<5000x128xf32, #tpu.memory_space<vmem>>, vector<5000x128xf32>
    tpu.vector_store %arg3[%swap3A, %swap3A_21], %add3A_20 {strides = array<i32>} : memref<5000x128xf32, #tpu.memory_space<vmem>>, vector<5000x128xf32>,
    return
  }
  func.func @transform_0(%arg0: i32) -> (i32, i32, i32) {
    %c0_i32 = arith.constant 0 : i32
    %c0_i32_0 = arith.constant 0 : i32
    %c0_i32_1 = arith.constant 0 : i32
    return %c0_i32, %arg0, %c0_i32_0 : i32, i32, i32
  }
  func.func @transform_1(%arg0: i32) -> (i32, i32, i32) {
    %c0_i32 = arith.constant 0 : i32
    %c0_i32_0 = arith.constant 0 : i32
    %c0_i32_1 = arith.constant 0 : i32
    return %c0_i32, %arg0, %c0_i32_0 : i32, i32, i32
  }
  func.func @transform_2(%arg0: i32) -> (i32, i32) {
    %c0_i32 = arith.constant 0 : i32
    %c0_i32_0 = arith.constant 0 : i32
    return %arg0, %c0_i32 : i32, i32
  }
}

module attributes {stable_mosaic.version = 14 : i64} {
  func.func @_final_body(%arg0: i32, %arg1: memref<5000x128xf32, #tpu.memory_space<vmem>>, %arg2: memref<2x5000x128xf32, #tpu.memory_space<vmem>>, %arg3: memref<1x128xf32, #tpu.memory_space<vmem>>, %arg4: memref<5000x128xf32, #tpu.memory_space<vmem>>) attributes {dimension_semantics = [#tpu.dimension_semantics<arbitrary>], iteration_bounds = array<i64: 2>, scalar_prefetch = 0 : i64, scratch_operands = 0 : i64, tpu.core_type = #tpu.core_type<tc>, window_params = [{transform_indices = @transform_0, window_bounds = array<i64: 5000, 128>}, {transform_indices = @transform_1, window_bounds = array<i64: 2, 5000, 128>}, {pipeline_mode = #tpu.pipeline_mode<synchronous>, transform_indices = @transform_2, window_bounds = array<i64: 1, 128>}, {transform_indices = @transform_3, window_bounds = array<i64: 5000, 128>}]} {
    %get3A = arith.constant 0 : index
    %get3A_0 = arith.constant 0 : index
    %get3A_1 = vector.load %arg1[%get3A, %get3A_0] : memref<5000x128xf32, #tpu.memory_space<vmem>>, vector<5000x128xf32>
    %get3A_2 = arith.constant 0 : index
    %get3A_3 = arith.constant 0 : index
    %get3A_4 = arith.constant 0 : index
    %get3A_5 = vector.load %arg2[%get3A_2, %get3A_3, %get3A_4] : memref<2x5000x128xf32, #tpu.memory_space<vmem>>, vector<1x5000x128xf32>
    %get3A_6 = vector.shape_cast %get3A_5 : vector<1x5000x128xf32> to vector<5000x128xf32>
    %add3A = arith.addf %get3A_1, %get3A_6 : vector<5000x128xf32>
    %get3A_7 = arith.constant 1 : index
    %get3A_8 = arith.constant 0 : index
    %get3A_9 = arith.constant 0 : index
    %get3A_10 = vector.load %arg2[%get3A_7, %get3A_8, %get3A_9] : memref<2x5000x128xf32, #tpu.memory_space<vmem>>, vector<1x5000x128xf32>
    %get3A_11 = vector.shape_cast %get3A_10 : vector<1x5000x128xf32> to vector<5000x128xf32>
    %add3A_12 = arith.addf %add3A, %get3A_11 : vector<5000x128xf32>
    %get3A_13 = arith.constant 0 : index
    %get3A_14 = arith.constant 0 : index
    %get3A_15 = vector.load %arg3[%get3A_13, %get3A_14] : memref<1x128xf32, #tpu.memory_space<vmem>>, vector<1x128xf32>
    %get3A_16 = vector.shape_cast %get3A_15 : vector<1x128xf32> to vector<128xf32>
    %broadcast_in_dim3A = vector.shape_cast %get3A_16 : vector<128xf32> to vector<1x128xf32>
    %add3A_17 = vector.broadcast %broadcast_in_dim3A : vector<1x128xf32> to vector<5000x128xf32>
    %add3A_18 = arith.addf %add3A_12, %add3A_17 : vector<5000x128xf32>
    %swap3A = arith.constant 0 : index
    %swap3A_19 = arith.constant 0 : index
    %swap3A_20 = vector.load %arg4[%swap3A, %swap3A_19] : memref<5000x128xf32, #tpu.memory_space<vmem>>, vector<5000x128xf32>
    tpu.vector_store %arg4[%swap3A, %swap3A_19], %add3A_18 {strides = array<i32>} : memref<5000x128xf32, #tpu.memory_space<vmem>>, vector<5000x128xf32>,
    return
  }
  func.func @transform_0(%arg0: i32) -> (i32, i32) {
    %c0_i32 = arith.constant 0 : i32
    %c0_i32_0 = arith.constant 0 : i32
    return %arg0, %c0_i32 : i32, i32
  }
  func.func @transform_1(%arg0: i32) -> (i32, i32, i32) {
    %c0_i32 = arith.constant 0 : i32
    %c0_i32_0 = arith.constant 0 : i32
    %c0_i32_1 = arith.constant 0 : i32
    return %c0_i32, %arg0, %c0_i32_0 : i32, i32, i32
  }
  func.func @transform_2(%arg0: i32) -> (i32, i32) {
    %c0_i32 = arith.constant 0 : i32
    %c0_i32_0 = arith.constant 0 : i32
    %c0_i32_1 = arith.constant 0 : i32
    return %c0_i32, %c0_i32_0 : i32, i32
  }
  func.func @transform_3(%arg0: i32) -> (i32, i32) {
    %c0_i32 = arith.constant 0 : i32
    %c0_i32_0 = arith.constant 0 : i32
    return %arg0, %c0_i32 : i32, i32
  }
}

</mosaic_0001>

<sc_bundles>
// kernel: kernel.10.cloned.1.call-start
scs
__scs_entry_jumppad:
0x0: {  	(pc) =	sbr.rel $0x88, $3  }
0x1: {  	(tag) =	ssettag $0x0;
	lr =	simm.s32 $0x1  }
0x2: {  	[smem:$0x3F9D] =	sst lr;
	_ =	strace $0xD0000000  }
0x3: {  	_ = 	snop  }
0x4: {  	_ = 	snop  }
0x5: {  	_ = 	snop  }
0x6: {  	_ = 	snop  }
0x7: {  	_ = 	snop  }
__scs_overlays_trampoline_lowered:
0x8: {  	[smem:$0x3FAC] =	sst s0  }
0x9: {  	[smem:$0x3FAD] =	sst s1  }
0xa: {  	[smem:$0x3FAE] =	sst s2  }
0xb: {  	[smem:$0x3FAF] =	sst s3  }
0xc: {  	[smem:$0x3FB0] =	sst s4  }
0xd: {  	[smem:$0x3FB1] =	sst s5  }
0xe: {  	[smem:$0x3FB2] =	sst s6  }
0xf: {  	[smem:$0x3FB3] =	sst s7  }
0x10: {  	[smem:$0x3FB4] =	sst s8  }
0x11: {  	[smem:$0x3FB5] =	sst s9;
	s0 =	simm.s32 @!p0 $0x0  }
0x12: {  	s1 =	sld [smem:$0x3F9B];
	s0 =	simm.s32 @p0 $0x1  }
0x13: {  	[smem:$0x3FB6] =	sst s0;
	s0 =	simm.s32 @!p1 $0x0  }
0x14: {  	s2 =	sld [smem:$0x3F9A];
	s0 =	simm.s32 @p1 $0x1  }
0x15: {  	[smem:$0x3FB7] =	sst s0;
	s0 =	simm.s32 @!p2 $0x0  }
0x16: {  	s3 =	sld [smem:$0x3FDB];
	s0 =	simm.s32 @p2 $0x1  }
0x17: {  	s4 =	simm.s32 $0x1BF5;
	[smem:$0x3FB9] =	sst s0  }
0x18: {  	s0 =	sld [smem:$0x3F9C];
	_ =	swait.ge [sflag:s4], $0x0  }
0x19: {  	s7 =	sld [smem:$0x3F9D]  }
0x1a: {  	s8 =	sadd.s32 $0xFFFFE003, lr  }
0x1b: {  	s9 =	sadd.s32 $0xFFFFFEF7, lr;
	s5 =	simm.s32 $0xFFFFFFFF;
	p2 =	slt.u32 s8, $0xFFFFF086  }
0x1c: {  	p1 =	slt.u32 s9, $0xF7A;
	s5 =	simm.s32 @!p2 $0x0  }
0x1d: {  	s5 =	simm.s32 @p1 $0x1;
	p0 =	seq.s32 s7, s2  }
0x1e: {  	s7 =	smul.u32 @!p0 $0xF7A, s2;
	p2 =	seq.s32 @!p0 s5, $0x0  }
0x1f: {  	s9 =	smul.u32 $0xF7A, s1;
	s8 =	simm.s32 @!p0 $0x1BF5;
	p2 =	por !p2, p0  }
0x20: {  	[sflag:s8] =	ssyncset.s32 @!p0 $0xFFFFF086;
	s6 =	sadd.s32 @!p0 s3, s7;
	s7 =	simm.s32 @!p0 $0x108  }
0x21: {  	s3 =	sadd.s32 s3, s9;
	s6 =	sadd.s32 @!p0 $0x88, s6;
	s7 =	simm.s32 @p2 $0x1082  }
0x22: {  	[simem:s7], [sflag:s8] =	dma.local @!p0 [hbm:s6], $0xF7A  }
0x23: {  	s9 =	sor.u32 $0xD0000000, s2;
	s6 =	simm.s32 $0x108;
	_ =	swait.ge @!p0 [sflag:s8], $0x0  }
0x24: {  	s3 =	sadd.s32 $0x88, s3;
	s6 =	simm.s32 @!p1 $0x1082;
	[sflag:s4] =	ssyncset.s32 $0xFFFFF086  }
0x25: {  	[simem:s6], [sflag:s4] =	dma.local [hbm:s3], $0xF7A  }
0x26: {  	[smem:$0x3F9D] =	sst s1;
	(tag) =	ssettag s2;
	_ =	strace s9  }
0x27: {  	s1 =	sld [smem:$0x3FAD]  }
0x28: {  	s2 =	sld [smem:$0x3FAE]  }
0x29: {  	s4 =	sld [smem:$0x3FB0]  }
0x2a: {  	p0 =	seq.s32 s5, $0x0;
	s5 =	sld [smem:$0x3FB1]  }
0x2b: {  	s6 =	sld [smem:$0x3FB2]  }
0x2c: {  	s7 =	sld [smem:$0x3FB3]  }
0x2d: {  	s3 =	simm.s32 $0x108;
	s8 =	sld [smem:$0x3FB4]  }
0x2e: {  	s3 =	simm.s32 @!p0 $0x1082;
	s9 =	sld [smem:$0x3FB5]  }
0x2f: {  	lr =	sadd.s32 s0, s3;
	s0 =	sld [smem:$0x3FAC]  }
0x30: {  	s3 =	sld [smem:$0x3FAF]  }
0x31: {  	[smem:$0x3FB8] =	sst s10  }
0x32: {  	s10 =	sld [smem:$0x3FB6];
	_ =	sdelay $0x3  }
0x33: {  	p0 =	seq.s32 s10, $0x1;
	s10 =	sld [smem:$0x3FB8];
	_ =	sdelay $0x3  }
0x34: {  	[smem:$0x3FB8] =	sst s10  }
0x35: {  	s10 =	sld [smem:$0x3FB7];
	_ =	sdelay $0x3  }
0x36: {  	p1 =	seq.s32 s10, $0x1;
	s10 =	sld [smem:$0x3FB8];
	_ =	sdelay $0x3  }
0x37: {  	[smem:$0x3FB8] =	sst s10  }
0x38: {  	s10 =	sld [smem:$0x3FB9]  }
0x39: {  	_ = 	snop;
	(pc) =	sbr.ind lr, $3  }
0x3a: {  	_ = 	snop  }
0x3b: {  	_ = 	snop  }
0x3c: {  	p2 =	seq.s32 s10, $0x1;
	s10 =	sld [smem:$0x3FB8]  }
0x3d: {  	_ =	shalt  }
0x3e: {  	_ =	shalt  }
0x3f: {  	_ =	shalt  }
0x40: {  	_ =	shalt  }
0x41: {  	_ =	shalt  }
0x42: {  	_ =	shalt  }
0x43: {  	_ =	shalt  }
0x44: {  	_ =	shalt  }
0x45: {  	_ =	shalt  }
0x46: {  	_ =	shalt  }
0x47: {  	_ =	shalt  }
0x48: {  	_ =	shalt  }
0x49: {  	_ =	shalt  }
0x4a: {  	_ =	shalt  }
0x4b: {  	_ =	shalt  }
0x4c: {  	_ =	shalt  }
0x4d: {  	_ =	shalt  }
0x4e: {  	_ =	shalt  }
0x4f: {  	_ =	shalt  }
0x50: {  	_ =	shalt  }
0x51: {  	_ =	shalt  }
0x52: {  	_ =	shalt  }
0x53: {  	_ =	shalt  }
0x54: {  	_ =	shalt  }
0x55: {  	_ =	shalt  }
0x56: {  	_ =	shalt  }
0x57: {  	_ =	shalt  }
0x58: {  	_ =	shalt  }
0x59: {  	_ =	shalt  }
0x5a: {  	_ =	shalt  }
0x5b: {  	_ =	shalt  }
0x5c: {  	_ =	shalt  }
0x5d: {  	_ =	shalt  }
0x5e: {  	_ =	shalt  }
0x5f: {  	_ =	shalt  }
0x60: {  	_ =	shalt  }
0x61: {  	_ =	shalt  }
0x62: {  	_ =	shalt  }
0x63: {  	_ =	shalt  }
0x64: {  	_ =	shalt  }
0x65: {  	_ =	shalt  }
0x66: {  	_ =	shalt  }
0x67: {  	_ =	shalt  }
0x68: {  	_ =	shalt  }
0x69: {  	_ =	shalt  }
0x6a: {  	_ =	shalt  }
0x6b: {  	_ =	shalt  }
0x6c: {  	_ =	shalt  }
0x6d: {  	_ =	shalt  }
0x6e: {  	_ =	shalt  }
0x6f: {  	_ =	shalt  }
0x70: {  	_ =	shalt  }
0x71: {  	_ =	shalt  }
0x72: {  	_ =	shalt  }
0x73: {  	_ =	shalt  }
0x74: {  	_ =	shalt  }
0x75: {  	_ =	shalt  }
0x76: {  	_ =	shalt  }
0x77: {  	_ =	shalt  }
0x78: {  	_ =	shalt  }
0x79: {  	_ =	shalt  }
0x7a: {  	_ =	shalt  }
0x7b: {  	_ =	shalt  }
0x7c: {  	_ =	shalt  }
0x7d: {  	_ =	shalt  }
0x7e: {  	_ =	shalt  }
0x7f: {  	_ =	shalt  }
0x80: {  	_ =	shalt  }
0x81: {  	_ =	shalt  }
0x82: {  	_ =	shalt  }
0x83: {  	_ =	shalt  }
0x84: {  	_ =	shalt  }
0x85: {  	_ =	shalt  }
0x86: {  	_ =	shalt  }
0x87: {  	_ =	shalt  }
.Lfunc_end0:
.L_simem_size_0:
called_computation_lowered:
.L_overlay_start_0:
0x88: {  	s2 =	sld [smem:$0x3FD9]  }
0x89: {  	s3 =	sld [smem:$0x3FFE];
	_ =	sdelay $0x1  }
0x8a: {  	s1 =	srdreg.scid  }
0x8b: {  	s0 =	sand.u32 $0x1, s1  }
0x8c: {  	s16 =	sshll.u32 s0, $0xA;
	s2 =	sadd.s32 s3, s2  }
0x8d: {  	s2 =	sadd.s32 s2, s16  }
0x8e: {  	[smem:$0x3FC4] =	sst s2  }
0x8f: {  	_ = 	snop  }
0x90: {  	(tm) =	ssettm $0x1  }
0x91: {  	s17 =	sld [smem:$0x3FFB];
	_ =	sdelay $0x3  }
0x92: {  	_ =	strace s17  }
0x93: {  	s2 =	sld [smem:$0x3FFC];
	_ =	sdelay $0x3  }
0x94: {  	_ =	strace s2  }
0x95: {  	s2 =	sld [smem:$0x3FFD];
	_ =	sdelay $0x3  }
0x96: {  	_ =	strace s2  }
0x97: {  	_ =	strace $0x8FFFFFFF  }
0x98: {  	s18 =	sld [smem:$0x3FDB];
	_ =	sdelay $0x1  }
0x99: {  	s19 =	simm.s32 $_scs_section_size  }
0x9a: {  	s4 =	simm.s32 $_size__tile_overlayer_lowered;
	s5 =	simm.s32 $_tile_overlayer_lowered  }
0x9b: {  	s22 =	simm.s32 $0x1BFF;
	s21 =	sshll.u32 s5, $0x1;
	s2 =	sadd.s32 s19, s18  }
0x9c: {  	s6 =	simm.s32 $0x0;
	s20 =	sshll.u32 s4, $0x1;
	s4 =	sadd.s32 s21, s2  }
0x9d: {  	[timem:s6], [sflag:s22] =	dma.local [hbm:s4], s20  }
0x9e: {  	_ =	swait.ge [sflag:s22], s20  }
0x9f: {  	s3 =	ssub.s32 $0x0, s20;
	[sflag:s22] =	ssyncset.done $0x0  }
0xa0: {  	[sflag:s22] =	ssyncadd.s32 s3;
	_ =	sdelay $0x1  }
0xa1: {  	s23 =	simm.s32 $0x1B8B  }
0xa2: {  	_ =	swait.ge [sflag:s23], $0x1  }
0xa3: {  	[sflag:s23] =	ssyncset.done $0x0  }
0xa4: {  	s25 =	simm.s32 $0x1B8E;
	s24 =	sld [smem:$0x3FFE];
	[sflag:s23] =	ssyncadd.s32 $0xFFFFFFFF  }
0xa5: {  	s26 =	simm.s32 $execute0_lowered;
	[smem:$0x3FD2] =	sst s25  }
0xa6: {  	s4 =	sshll.u32 s26, $0x1;
	_ =	strace $0x80000046;
	[dreg:$0x1] =	wrdreg $0xFFFFFFFF  }
0xa7: {  	s28 =	simm.s32 $_size_execute0_lowered;
	s2 =	sadd.s32 s2, s4;
	[dreg:$0x0] =	wrdreg $0x0  }
0xa8: {  	s4 =	sshll.u32 s28, $0x1;
	[dreg:$0x2] =	wrdreg s2  }
0xa9: {  	[dreg:$0x3] =	wrdreg s4  }
0xaa: {  	[dreg:$0x4] =	wrdreg $0xC0  }
0xab: {  	_ =	task [dreg:s6], $0x5FFFF  }
0xac: {  	[dreg:$0x1] =	wrdreg $0xFFFFFFFF  }
0xad: {  	[dreg:$0x0] =	wrdreg $0x60  }
0xae: {  	[dreg:$0x2] =	wrdreg s24  }
0xaf: {  	[dreg:$0x3] =	wrdreg $0x90000  }
0xb0: {  	[dreg:$0x4] =	wrdreg $0x9  }
0xb1: {  	_ =	task.clear_ibuf [dreg:s6], $0x5FFFF;
	_ =	strace $0x90000046  }
0xb2: {  	s29 =	simm.s32 $0x9;
	_ =	strace $0x80000048  }
0xb3: {  	_ =	swait.ge [sflag:s29], $0x1  }
0xb4: {  	[sflag:s29] =	ssyncadd.s32 $0xFFFFFFFF  }
0xb5: {  	_ =	strace $0x90000048  }
0xb6: {  	_ =	sfence  }
0xb7: {  	s30 =	sld [smem:$0x0];
	_ =	sdelay $0x2  }
0xb8: {  	s31 =	sshll.u32 s1, $0xD;
	s1 =	sshrl.u32 s1, $0x2  }
0xb9: {  	s3 =	sand.u32 $0x4000, s31;
	s1 =	sadd.s32 s1, s30  }
0xba: {  	s0 =	sor.u32 s3, s0;
	s1 =	sshll.u32 s1, $0x11  }
0xbb: {  	s0 =	sor.u32 s1, s0  }
0xbc: {  	s0 =	sadd.s32 $0x8F2B, s0  }
0xbd: {  	[sflag:s0] =	ssyncadd.remote.s32 $0x1  }
0xbe: {  	_ =	sfence.sel $0xFFFF  }
0xbf: {  	[dreg:$0x0] =	wrdreg $0xFFFFFFFF;
	(pc) =	sbr.abs _section_cstart, $3  }
0xc0: {  	[dreg:$0x1] =	wrdreg $0xFFFFFFFF  }
0xc1: {  	_ =	task.clear_ibuf [dreg:s6], $0x2FFFF;
	_ =	strace $0x9FFFFFFF  }
0xc2: {  	(tm) =	ssettm $0x7FFFFFFF  }
0xc3: {  	_ =	shalt  }
tec
execute0_lowered:
.L_overlay_start_1:
0x0: {  	(tag) =	ssettag $0x1  }
0x1: {  	s0 =	rddreg [dreg:$0x0]  }
0x2: {  	s1 =	rddreg [dreg:$0x1];
	s3 =	simm.s32 $0x0;
	s2 =	srdreg.scid  }
0x3: {  	s9 =	stileid.u32;
	s14 =	simm.s32 $0x800;
	s15 =	simm.s32 $0x1000  }
0x4: {  	s16 =	simm.s32 $0x1;
	s17 =	simm.s32 $0x3;
	s18 =	simm.s32 $0x80  }
0x5: {  	s19 =	simm.s32 $0x5000;
	s20 =	simm.s32 $0x4;
	s21 =	simm.s32 $0x2  }
0x6: {  	s24 =	simm.s32 $0xB80;
	s28 =	simm.s32 $0x500;
	s29 =	simm.s32 $0xC80  }
0x7: {  	s30 =	simm.s32 $0x580;
	s31 =	simm.s32 $0xD00;
	s8 =	smul.u32 $0x14000, s9  }
0x8: {  	[smem:$0x7FF] =	sst s3;
	s2 =	sand.u32 $0x1, s2;
	s25 =	smul.u32 $0x50000, s9  }
0x9: {  	s7 =	sshll.u32 s9, $0x8;
	s4 =	sadd.s32 $0x4400, s0;
	s5 =	smul.u32 $0x140000, s2  }
0xa: {  	s6 =	sshll.u32 s2, $0xC;
	_ =	strace $0x80000047;
	s2 =	ssub.s32 $0x2, s2  }
0xb: {  	s6 =	sor.u32 s7, s6;
	s26 =	sshrl.u32 s2, $0x1;
	s7 =	sshrl.u32 s25, $0x2  }
0xc: {  	s25 =	simm.s32 $0x480;
	s5 =	sadd.s32 s8, s5;
	s6 =	sadd.s32 s6, s0  }
0xd: {  	s2 =	ssub.s32 s2, s26;
	s7 =	sadd.s32 s7, s1;
	s26 =	simm.s32 $0xC00  }
0xe: {  	s5 =	sshrl.u32 s5, $0x3;
	s8 =	sadd.s32 $0x4000, s7;
	s9 =	sadd.s32 $0x8000, s7  }
0xf: {  	s10 =	sadd.s32 $0xC000, s7;
	s11 =	sadd.s32 $0x10000, s7;
	s13 =	smax.u32 s2, $0x1  }
0x10: {  	s2 =	simm.s32 $0x0;
	s0 =	sadd.s32 s5, s0;
	s5 =	sadd.s32 $0x400, s6  }
0x11: {  	v0 =	vimm.f32 $0.0e+00;
	s6 =	sadd.s32 $0x2400, s6;
	s12 =	sadd.s32 $0xA0800, s0;
	s0 =	simm.s32 $0xD80  }
.LBB2_1:
0x12: {  	[tilespmem:s3], [sflag:$0x3] =	stream.linear.gather [hbm4b:s5+s3], $0x600, $0x38;
	[tilespmem:$0x1D000] =	vst v63  }
0x13: {  	s22 =	simm.s32 $0x0;
	s23 =	simm.s32 $0x200  }
0x14: {  	[tilespmem:s14], [sflag:$0x3] =	stream.linear.gather [hbm4b:s6+s3], $0x600, $0x38;
	[tilespmem:$0x1D000] =	vst v63  }
.LBB2_2:
0x15: {  	p0 =	sne.s32 s23, $0xFE00;
	[tilespmem:s22+$0x1070] =	vst v0  }
0x16: {  	[tilespmem:s22+$0x1000] =	vst v0  }
0x17: {  	[tilespmem:s22+$0x1010] =	vst v0  }
.Ltmp0:
0x18: {  	[tilespmem:s22+$0x1020] =	vst v0;
	(pc) =	sbr.rel @p0 .LBB2_2-.Ltmp0, $4  }
0x19: {  	[tilespmem:s22+$0x1030] =	vst v0  }
0x1a: {  	[tilespmem:s22+$0x1040] =	vst v0  }
0x1b: {  	[tilespmem:s22+$0x1050] =	vst v0  }
0x1c: {  	[tilespmem:s22+$0x1060] =	vst v0;
	s22 =	sshra.s32 s23, $0x2;
	s23 =	sadd.s32 $0x200, s23  }
0x1d: {  	[tilespmem:s22+$0x1070] =	vst v0  }
0x1e: {  	[tilespmem:s22+$0x1000] =	vst v0  }
0x1f: {  	[tilespmem:s22+$0x1010] =	vst v0  }
0x20: {  	[tilespmem:s22+$0x1020] =	vst v0  }
0x21: {  	[tilespmem:s22+$0x1030] =	vst v0  }
0x22: {  	[tilespmem:s22+$0x1040] =	vst v0  }
0x23: {  	[tilespmem:s22+$0x1050] =	vst v0  }
0x24: {  	[tilespmem:s22+$0x1060] =	vst v0  }
0x25: {  	[spmem:s7] =	stream.linear.scatter [tilespmem:s15], [sflag:$0x1], $0x4000, $0x38;
	[tilespmem:$0x1D000] =	vst v63  }
0x26: {  	_ = 	snop  }
0x27: {  	[spmem:s8] =	stream.linear.scatter [tilespmem:s15], [sflag:$0x1], $0x4000, $0x38;
	[tilespmem:$0x1D000] =	vst v63  }
0x28: {  	_ = 	snop  }
0x29: {  	[spmem:s9] =	stream.linear.scatter [tilespmem:s15], [sflag:$0x1], $0x4000, $0x38;
	[tilespmem:$0x1D000] =	vst v63  }
0x2a: {  	_ = 	snop  }
0x2b: {  	[spmem:s10] =	stream.linear.scatter [tilespmem:s15], [sflag:$0x1], $0x4000, $0x38;
	[tilespmem:$0x1D000] =	vst v63  }
0x2c: {  	_ = 	snop  }
0x2d: {  	[spmem:s11] =	stream.linear.scatter [tilespmem:s15], [sflag:$0x1], $0x4000, $0x38;
	[tilespmem:$0x1D000] =	vst v63  }
0x2e: {  	_ =	swait.ge [sflag:s16], $0x4000  }
0x2f: {  	[sflag:s16] =	ssyncset.done $0x0  }
0x30: {  	[sflag:s16] =	ssyncadd.s32 $0xFFFFC000  }
0x31: {  	_ =	swait.ge [sflag:s16], $0x4000  }
0x32: {  	[sflag:s16] =	ssyncset.done $0x0  }
0x33: {  	[sflag:s16] =	ssyncadd.s32 $0xFFFFC000  }
0x34: {  	_ =	swait.ge [sflag:s16], $0x4000  }
0x35: {  	[sflag:s16] =	ssyncset.done $0x0  }
0x36: {  	[sflag:s16] =	ssyncadd.s32 $0xFFFFC000  }
0x37: {  	_ =	swait.ge [sflag:s16], $0x4000  }
0x38: {  	[sflag:s16] =	ssyncset.done $0x0  }
0x39: {  	[sflag:s16] =	ssyncadd.s32 $0xFFFFC000  }
0x3a: {  	_ =	swait.ge [sflag:s16], $0x4000  }
0x3b: {  	[sflag:s16] =	ssyncset.done $0x0  }
0x3c: {  	[sflag:s16] =	ssyncadd.s32 $0xFFFFC000  }
0x3d: {  	_ =	swait.ge [sflag:s17], $0x600  }
0x3e: {  	[sflag:s17] =	ssyncset.done $0x0  }
0x3f: {  	[sflag:s17] =	ssyncadd.s32 $0xFFFFFA00  }
0x40: {  	_ =	swait.ge [sflag:s17], $0x600  }
0x41: {  	[sflag:s17] =	ssyncset.done $0x0  }
0x42: {  	[sflag:s17] =	ssyncadd.s32 $0xFFFFFA00  }
0x43: {  	[tilespmem:s15], [sflag:$0x1] =	stream.indirect.gather [hbm4b:s4+s18], $0x80, s3, s18, $0xb8;
	[tilespmem:$0x1D000] =	vst v63  }
0x44: {  	[bflag:$0x0] =	sbarrier.arrive $0xFFFF  }
0x45: {  	_ =	swait.ge [sflag:s16], $0x4000  }
0x46: {  	[sflag:s16] =	ssyncset.done $0x0  }
0x47: {  	[sflag:s16] =	ssyncadd.s32 $0xFFFFC000  }
0x48: {  	[tilespmem:s19], [sflag:$0x2] =	stream.indirect.gather [hbm4b:s4+s18], $0x80, s18, s18, $0xb8;
	[tilespmem:$0x1D000] =	vst v63  }
0x49: {  	_ = 	snop  }
0x4a: {  	[spmem:s1] =	stream.indirect.scatter.add.f32 [tilespmem:s15], [sflag:$0x4], $0x80, s14, s18, $0xb8;
	[tilespmem:$0x1D000] =	vst v63  }
0x4b: {  	_ =	swait.ge [sflag:s20], $0x4000  }
0x4c: {  	[sflag:s20] =	ssyncset.done $0x0  }
0x4d: {  	[sflag:s20] =	ssyncadd.s32 $0xFFFFC000  }
0x4e: {  	_ =	swait.ge [sflag:s21], $0x4000  }
0x4f: {  	[sflag:s21] =	ssyncset.done $0x0  }
0x50: {  	s23 =	simm.s32 $0x100;
	[sflag:s21] =	ssyncadd.s32 $0xFFFFC000  }
0x51: {  	[tilespmem:s15], [sflag:$0x1] =	stream.indirect.gather [hbm4b:s4+s18], $0x80, s23, s18, $0xb8;
	[tilespmem:$0x1D000] =	vst v63  }
0x52: {  	s23 =	simm.s32 $0x880  }
0x53: {  	[spmem:s1] =	stream.indirect.scatter.add.f32 [tilespmem:s19], [sflag:$0x4], $0x80, s23, s18, $0xb8;
	[tilespmem:$0x1D000] =	vst v63  }
0x54: {  	_ =	swait.ge [sflag:s20], $0x4000  }
0x55: {  	[sflag:s20] =	ssyncset.done $0x0  }
0x56: {  	[sflag:s20] =	ssyncadd.s32 $0xFFFFC000  }
0x57: {  	_ =	swait.ge [sflag:s16], $0x4000  }
0x58: {  	[sflag:s16] =	ssyncset.done $0x0  }
0x59: {  	s23 =	simm.s32 $0x180;
	[sflag:s16] =	ssyncadd.s32 $0xFFFFC000  }
0x5a: {  	[tilespmem:s19], [sflag:$0x2] =	stream.indirect.gather [hbm4b:s4+s18], $0x80, s23, s18, $0xb8;
	[tilespmem:$0x1D000] =	vst v63  }
0x5b: {  	s23 =	simm.s32 $0x900  }
0x5c: {  	[spmem:s1] =	stream.indirect.scatter.add.f32 [tilespmem:s15], [sflag:$0x4], $0x80, s23, s18, $0xb8;
	[tilespmem:$0x1D000] =	vst v63  }
0x5d: {  	_ =	swait.ge [sflag:s20], $0x4000  }
0x5e: {  	[sflag:s20] =	ssyncset.done $0x0  }
0x5f: {  	[sflag:s20] =	ssyncadd.s32 $0xFFFFC000  }
0x60: {  	_ =	swait.ge [sflag:s21], $0x4000  }
0x61: {  	[sflag:s21] =	ssyncset.done $0x0  }
0x62: {  	s23 =	simm.s32 $0x200;
	[sflag:s21] =	ssyncadd.s32 $0xFFFFC000  }
0x63: {  	[tilespmem:s15], [sflag:$0x1] =	stream.indirect.gather [hbm4b:s4+s18], $0x80, s23, s18, $0xb8;
	[tilespmem:$0x1D000] =	vst v63  }
0x64: {  	s23 =	simm.s32 $0x980  }
0x65: {  	[spmem:s1] =	stream.indirect.scatter.add.f32 [tilespmem:s19], [sflag:$0x4], $0x80, s23, s18, $0xb8;
	[tilespmem:$0x1D000] =	vst v63  }
0x66: {  	_ =	swait.ge [sflag:s20], $0x4000  }
0x67: {  	[sflag:s20] =	ssyncset.done $0x0  }
0x68: {  	[sflag:s20] =	ssyncadd.s32 $0xFFFFC000  }
0x69: {  	_ =	swait.ge [sflag:s16], $0x4000  }
0x6a: {  	[sflag:s16] =	ssyncset.done $0x0  }
0x6b: {  	s23 =	simm.s32 $0x280;
	[sflag:s16] =	ssyncadd.s32 $0xFFFFC000  }
0x6c: {  	[tilespmem:s19], [sflag:$0x2] =	stream.indirect.gather [hbm4b:s4+s18], $0x80, s23, s18, $0xb8;
	[tilespmem:$0x1D000] =	vst v63  }
0x6d: {  	s23 =	simm.s32 $0xA00  }
0x6e: {  	[spmem:s1] =	stream.indirect.scatter.add.f32 [tilespmem:s15], [sflag:$0x4], $0x80, s23, s18, $0xb8;
	[tilespmem:$0x1D000] =	vst v63  }
0x6f: {  	_ =	swait.ge [sflag:s20], $0x4000  }
0x70: {  	[sflag:s20] =	ssyncset.done $0x0  }
0x71: {  	[sflag:s20] =	ssyncadd.s32 $0xFFFFC000  }
0x72: {  	_ =	swait.ge [sflag:s21], $0x4000  }
0x73: {  	[sflag:s21] =	ssyncset.done $0x0  }
0x74: {  	s23 =	simm.s32 $0x300;
	[sflag:s21] =	ssyncadd.s32 $0xFFFFC000  }
0x75: {  	[tilespmem:s15], [sflag:$0x1] =	stream.indirect.gather [hbm4b:s4+s18], $0x80, s23, s18, $0xb8;
	[tilespmem:$0x1D000] =	vst v63  }
0x76: {  	s23 =	simm.s32 $0xA80  }
0x77: {  	[spmem:s1] =	stream.indirect.scatter.add.f32 [tilespmem:s19], [sflag:$0x4], $0x80, s23, s18, $0xb8;
	[tilespmem:$0x1D000] =	vst v63  }
0x78: {  	_ =	swait.ge [sflag:s20], $0x4000  }
0x79: {  	[sflag:s20] =	ssyncset.done $0x0  }
0x7a: {  	[sflag:s20] =	ssyncadd.s32 $0xFFFFC000  }
0x7b: {  	_ =	swait.ge [sflag:s16], $0x4000  }
0x7c: {  	[sflag:s16] =	ssyncset.done $0x0  }
0x7d: {  	s23 =	simm.s32 $0x380;
	[sflag:s16] =	ssyncadd.s32 $0xFFFFC000  }
0x7e: {  	[tilespmem:s19], [sflag:$0x2] =	stream.indirect.gather [hbm4b:s4+s18], $0x80, s23, s18, $0xb8;
	[tilespmem:$0x1D000] =	vst v63  }
0x7f: {  	s23 =	simm.s32 $0xB00  }
0x80: {  	[spmem:s1] =	stream.indirect.scatter.add.f32 [tilespmem:s15], [sflag:$0x4], $0x80, s23, s18, $0xb8;
	[tilespmem:$0x1D000] =	vst v63  }
0x81: {  	_ =	swait.ge [sflag:s20], $0x4000  }
0x82: {  	[sflag:s20] =	ssyncset.done $0x0  }
0x83: {  	[sflag:s20] =	ssyncadd.s32 $0xFFFFC000  }
0x84: {  	_ =	swait.ge [sflag:s21], $0x4000  }
0x85: {  	[sflag:s21] =	ssyncset.done $0x0  }
0x86: {  	s23 =	simm.s32 $0x400;
	[sflag:s21] =	ssyncadd.s32 $0xFFFFC000  }
0x87: {  	[tilespmem:s15], [sflag:$0x1] =	stream.indirect.gather [hbm4b:s4+s18], $0x80, s23, s18, $0xb8;
	[tilespmem:$0x1D000] =	vst v63  }
0x88: {  	_ = 	snop  }
0x89: {  	[spmem:s1] =	stream.indirect.scatter.add.f32 [tilespmem:s19], [sflag:$0x4], $0x80, s24, s18, $0xb8;
	[tilespmem:$0x1D000] =	vst v63  }
0x8a: {  	_ =	swait.ge [sflag:s20], $0x4000  }
0x8b: {  	[sflag:s20] =	ssyncset.done $0x0  }
0x8c: {  	[sflag:s20] =	ssyncadd.s32 $0xFFFFC000  }
0x8d: {  	_ =	swait.ge [sflag:s16], $0x4000  }
0x8e: {  	[sflag:s16] =	ssyncset.done $0x0  }
0x8f: {  	[sflag:s16] =	ssyncadd.s32 $0xFFFFC000  }
0x90: {  	[tilespmem:s19], [sflag:$0x2] =	stream.indirect.gather [hbm4b:s4+s18], $0x80, s25, s18, $0xb8;
	[tilespmem:$0x1D000] =	vst v63  }
0x91: {  	_ = 	snop  }
0x92: {  	[spmem:s1] =	stream.indirect.scatter.add.f32 [tilespmem:s15], [sflag:$0x4], $0x80, s26, s18, $0xb8;
	[tilespmem:$0x1D000] =	vst v63  }
0x93: {  	_ =	swait.ge [sflag:s20], $0x4000  }
0x94: {  	[sflag:s20] =	ssyncset.done $0x0  }
0x95: {  	[sflag:s20] =	ssyncadd.s32 $0xFFFFC000  }
0x96: {  	_ =	swait.ge [sflag:s21], $0x4000  }
0x97: {  	[sflag:s21] =	ssyncset.done $0x0  }
0x98: {  	[sflag:s21] =	ssyncadd.s32 $0xFFFFC000  }
0x99: {  	[tilespmem:s15], [sflag:$0x1] =	stream.indirect.gather [hbm4b:s4+s18], $0x80, s28, s18, $0xb8;
	[tilespmem:$0x1D000] =	vst v63  }
0x9a: {  	_ = 	snop  }
0x9b: {  	[spmem:s1] =	stream.indirect.scatter.add.f32 [tilespmem:s19], [sflag:$0x4], $0x80, s29, s18, $0xb8;
	[tilespmem:$0x1D000] =	vst v63  }
0x9c: {  	_ =	swait.ge [sflag:s20], $0x4000  }
0x9d: {  	[sflag:s20] =	ssyncset.done $0x0  }
0x9e: {  	[sflag:s20] =	ssyncadd.s32 $0xFFFFC000  }
0x9f: {  	_ =	swait.ge [sflag:s16], $0x4000  }
0xa0: {  	[sflag:s16] =	ssyncset.done $0x0  }
0xa1: {  	[sflag:s16] =	ssyncadd.s32 $0xFFFFC000  }
0xa2: {  	[tilespmem:s19], [sflag:$0x2] =	stream.indirect.gather [hbm4b:s4+s18], $0x80, s30, s18, $0xb8;
	[tilespmem:$0x1D000] =	vst v63  }
0xa3: {  	_ = 	snop  }
0xa4: {  	[spmem:s1] =	stream.indirect.scatter.add.f32 [tilespmem:s15], [sflag:$0x4], $0x80, s31, s18, $0xb8;
	[tilespmem:$0x1D000] =	vst v63  }
0xa5: {  	_ =	swait.ge [sflag:s20], $0x4000  }
0xa6: {  	[sflag:s20] =	ssyncset.done $0x0  }
0xa7: {  	[sflag:s20] =	ssyncadd.s32 $0xFFFFC000  }
0xa8: {  	_ =	swait.ge [sflag:s21], $0x4000  }
0xa9: {  	[sflag:s21] =	ssyncset.done $0x0  }
0xaa: {  	[sflag:s21] =	ssyncadd.s32 $0xFFFFC000  }
0xab: {  	[spmem:s1] =	stream.indirect.scatter.add.f32 [tilespmem:s19], [sflag:$0x4], $0x80, s0, s18, $0xb8;
	[tilespmem:$0x1D000] =	vst v63  }
0xac: {  	s2 =	sadd.s32 $0x1, s2;
	_ =	swait.ge [sflag:s20], $0x4000  }
0xad: {  	p0 =	sne.s32 s2, s13;
	s23 =	stileid.u32;
	[sflag:s20] =	ssyncset.done $0x0  }
0xae: {  	s22 =	sshll.u32 s23, $0x6;
	s23 =	sshrl.u32 s7, $0x3;
	[sflag:s20] =	ssyncadd.s32 $0xFFFFC000  }
.Ltmp1:
0xaf: {  	s22 =	sor.u32 $0x1C04, s22;
	[bflag:$0x0] =	sbarrier.arrive $0xFFFF;
	(pc) =	sbr.rel @p0 .LBB2_1-.Ltmp1, $4  }
0xb0: {  	[hbm:s12], [sflag:s22] =	dma.local [spmem:s23], $0x2800  }
0xb1: {  	_ =	swait.ge [sflag:s20], $0x2800  }
0xb2: {  	[sflag:s20] =	ssyncset.done $0x0  }
0xb3: {  	[sflag:s20] =	ssyncadd.s32 $0xFFFFD800  }
0xb4: {  	_ =	sfence.sel $0x180000  }
0xb5: {  	[bflag:$0x0] =	sbarrier.arrive $0xFFFF  }
0xb6: {  	_ =	strace $0x90000047  }
0xb7: {  	s0 =	stileid.u32;
	[bflag:$0x2] =	sbarrier.arrive $0xFFFF  }
0xb8: {  	p0 =	sne.s32 s0, $0x0;
	s0 =	rddreg [dreg:$0x2]  }
0xb9: {  	s0 =	sadd.s32 @!p0 $0x100000, s0  }
0xba: {  	[sflag:s0] =	ssyncadd.tile.s32 @!p0 $0x1;
	_ =	shalt  }
.Lfunc_end2:
_tile_overlayer_lowered:
.L_overlay_start_2:
0xbb: {  	(tag) =	ssettag $0x2  }
0xbc: {  	s0 =	rddreg [dreg:$0x0];
	s2 =	stileid.u32  }
0xbd: {  	s1 =	rddreg [dreg:$0x1];
	p0 =	sne.s32 s2, $0x0  }
0xbe: {  	s3 =	rddreg [dreg:$0x2];
	[bflag:$0x3] =	sbarrier.arrive $0xFFFF;
	s2 =	simm.s32 @!p0 $0x1C04  }
0xbf: {  	[timem:s3], [sflag:s2] =	dma.local @!p0 [hbm:s0], s1  }
0xc0: {  	s0 =	simm.s32 @!p0 $0x4  }
0xc1: {  	_ =	swait.ge @!p0 [sflag:s0], s1  }
0xc2: {  	s1 =	ssub.s32 @!p0 $0x0, s1;
	[sflag:s0] =	ssyncset.done @!p0 $0x0  }
0xc3: {  	[sflag:s0] =	ssyncadd.s32 @!p0 s1  }
0xc4: {  	[bflag:$0x3] =	sbarrier.arrive $0xFFFF  }
0xc5: {  	_ =	shalt  }

// kernel: kernel.13.cloned.1.call-start
scs
__scs_entry_jumppad:
0x0: {  	(pc) =	sbr.rel $0x88, $3  }
0x1: {  	(tag) =	ssettag $0x0;
	lr =	simm.s32 $0x1  }
0x2: {  	[smem:$0x3F9D] =	sst lr;
	_ =	strace $0xD0000000  }
0x3: {  	_ = 	snop  }
0x4: {  	_ = 	snop  }
0x5: {  	_ = 	snop  }
0x6: {  	_ = 	snop  }
0x7: {  	_ = 	snop  }
__scs_overlays_trampoline_lowered:
0x8: {  	[smem:$0x3FAC] =	sst s0  }
0x9: {  	[smem:$0x3FAD] =	sst s1  }
0xa: {  	[smem:$0x3FAE] =	sst s2  }
0xb: {  	[smem:$0x3FAF] =	sst s3  }
0xc: {  	[smem:$0x3FB0] =	sst s4  }
0xd: {  	[smem:$0x3FB1] =	sst s5  }
0xe: {  	[smem:$0x3FB2] =	sst s6  }
0xf: {  	[smem:$0x3FB3] =	sst s7  }
0x10: {  	[smem:$0x3FB4] =	sst s8  }
0x11: {  	[smem:$0x3FB5] =	sst s9;
	s0 =	simm.s32 @!p0 $0x0  }
0x12: {  	s1 =	sld [smem:$0x3F9B];
	s0 =	simm.s32 @p0 $0x1  }
0x13: {  	[smem:$0x3FB6] =	sst s0;
	s0 =	simm.s32 @!p1 $0x0  }
0x14: {  	s2 =	sld [smem:$0x3F9A];
	s0 =	simm.s32 @p1 $0x1  }
0x15: {  	[smem:$0x3FB7] =	sst s0;
	s0 =	simm.s32 @!p2 $0x0  }
0x16: {  	s3 =	sld [smem:$0x3FDB];
	s0 =	simm.s32 @p2 $0x1  }
0x17: {  	s4 =	simm.s32 $0x1BF5;
	[smem:$0x3FB9] =	sst s0  }
0x18: {  	s0 =	sld [smem:$0x3F9C];
	_ =	swait.ge [sflag:s4], $0x0  }
0x19: {  	s7 =	sld [smem:$0x3F9D]  }
0x1a: {  	s8 =	sadd.s32 $0xFFFFE003, lr  }
0x1b: {  	s9 =	sadd.s32 $0xFFFFFEF7, lr;
	s5 =	simm.s32 $0xFFFFFFFF;
	p2 =	slt.u32 s8, $0xFFFFF086  }
0x1c: {  	p1 =	slt.u32 s9, $0xF7A;
	s5 =	simm.s32 @!p2 $0x0  }
0x1d: {  	s5 =	simm.s32 @p1 $0x1;
	p0 =	seq.s32 s7, s2  }
0x1e: {  	s7 =	smul.u32 @!p0 $0xF7A, s2;
	p2 =	seq.s32 @!p0 s5, $0x0  }
0x1f: {  	s9 =	smul.u32 $0xF7A, s1;
	s8 =	simm.s32 @!p0 $0x1BF5;
	p2 =	por !p2, p0  }
0x20: {  	[sflag:s8] =	ssyncset.s32 @!p0 $0xFFFFF086;
	s6 =	sadd.s32 @!p0 s3, s7;
	s7 =	simm.s32 @!p0 $0x108  }
0x21: {  	s3 =	sadd.s32 s3, s9;
	s6 =	sadd.s32 @!p0 $0x88, s6;
	s7 =	simm.s32 @p2 $0x1082  }
0x22: {  	[simem:s7], [sflag:s8] =	dma.local @!p0 [hbm:s6], $0xF7A  }
0x23: {  	s9 =	sor.u32 $0xD0000000, s2;
	s6 =	simm.s32 $0x108;
	_ =	swait.ge @!p0 [sflag:s8], $0x0  }
0x24: {  	s3 =	sadd.s32 $0x88, s3;
	s6 =	simm.s32 @!p1 $0x1082;
	[sflag:s4] =	ssyncset.s32 $0xFFFFF086  }
0x25: {  	[simem:s6], [sflag:s4] =	dma.local [hbm:s3], $0xF7A  }
0x26: {  	[smem:$0x3F9D] =	sst s1;
	(tag) =	ssettag s2;
	_ =	strace s9  }
0x27: {  	s1 =	sld [smem:$0x3FAD]  }
0x28: {  	s2 =	sld [smem:$0x3FAE]  }
0x29: {  	s4 =	sld [smem:$0x3FB0]  }
0x2a: {  	p0 =	seq.s32 s5, $0x0;
	s5 =	sld [smem:$0x3FB1]  }
0x2b: {  	s6 =	sld [smem:$0x3FB2]  }
0x2c: {  	s7 =	sld [smem:$0x3FB3]  }
0x2d: {  	s3 =	simm.s32 $0x108;
	s8 =	sld [smem:$0x3FB4]  }
0x2e: {  	s3 =	simm.s32 @!p0 $0x1082;
	s9 =	sld [smem:$0x3FB5]  }
0x2f: {  	lr =	sadd.s32 s0, s3;
	s0 =	sld [smem:$0x3FAC]  }
0x30: {  	s3 =	sld [smem:$0x3FAF]  }
0x31: {  	[smem:$0x3FB8] =	sst s10  }
0x32: {  	s10 =	sld [smem:$0x3FB6];
	_ =	sdelay $0x3  }
0x33: {  	p0 =	seq.s32 s10, $0x1;
	s10 =	sld [smem:$0x3FB8];
	_ =	sdelay $0x3  }
0x34: {  	[smem:$0x3FB8] =	sst s10  }
0x35: {  	s10 =	sld [smem:$0x3FB7];
	_ =	sdelay $0x3  }
0x36: {  	p1 =	seq.s32 s10, $0x1;
	s10 =	sld [smem:$0x3FB8];
	_ =	sdelay $0x3  }
0x37: {  	[smem:$0x3FB8] =	sst s10  }
0x38: {  	s10 =	sld [smem:$0x3FB9]  }
0x39: {  	_ = 	snop;
	(pc) =	sbr.ind lr, $3  }
0x3a: {  	_ = 	snop  }
0x3b: {  	_ = 	snop  }
0x3c: {  	p2 =	seq.s32 s10, $0x1;
	s10 =	sld [smem:$0x3FB8]  }
0x3d: {  	_ =	shalt  }
0x3e: {  	_ =	shalt  }
0x3f: {  	_ =	shalt  }
0x40: {  	_ =	shalt  }
0x41: {  	_ =	shalt  }
0x42: {  	_ =	shalt  }
0x43: {  	_ =	shalt  }
0x44: {  	_ =	shalt  }
0x45: {  	_ =	shalt  }
0x46: {  	_ =	shalt  }
0x47: {  	_ =	shalt  }
0x48: {  	_ =	shalt  }
0x49: {  	_ =	shalt  }
0x4a: {  	_ =	shalt  }
0x4b: {  	_ =	shalt  }
0x4c: {  	_ =	shalt  }
0x4d: {  	_ =	shalt  }
0x4e: {  	_ =	shalt  }
0x4f: {  	_ =	shalt  }
0x50: {  	_ =	shalt  }
0x51: {  	_ =	shalt  }
0x52: {  	_ =	shalt  }
0x53: {  	_ =	shalt  }
0x54: {  	_ =	shalt  }
0x55: {  	_ =	shalt  }
0x56: {  	_ =	shalt  }
0x57: {  	_ =	shalt  }
0x58: {  	_ =	shalt  }
0x59: {  	_ =	shalt  }
0x5a: {  	_ =	shalt  }
0x5b: {  	_ =	shalt  }
0x5c: {  	_ =	shalt  }
0x5d: {  	_ =	shalt  }
0x5e: {  	_ =	shalt  }
0x5f: {  	_ =	shalt  }
0x60: {  	_ =	shalt  }
0x61: {  	_ =	shalt  }
0x62: {  	_ =	shalt  }
0x63: {  	_ =	shalt  }
0x64: {  	_ =	shalt  }
0x65: {  	_ =	shalt  }
0x66: {  	_ =	shalt  }
0x67: {  	_ =	shalt  }
0x68: {  	_ =	shalt  }
0x69: {  	_ =	shalt  }
0x6a: {  	_ =	shalt  }
0x6b: {  	_ =	shalt  }
0x6c: {  	_ =	shalt  }
0x6d: {  	_ =	shalt  }
0x6e: {  	_ =	shalt  }
0x6f: {  	_ =	shalt  }
0x70: {  	_ =	shalt  }
0x71: {  	_ =	shalt  }
0x72: {  	_ =	shalt  }
0x73: {  	_ =	shalt  }
0x74: {  	_ =	shalt  }
0x75: {  	_ =	shalt  }
0x76: {  	_ =	shalt  }
0x77: {  	_ =	shalt  }
0x78: {  	_ =	shalt  }
0x79: {  	_ =	shalt  }
0x7a: {  	_ =	shalt  }
0x7b: {  	_ =	shalt  }
0x7c: {  	_ =	shalt  }
0x7d: {  	_ =	shalt  }
0x7e: {  	_ =	shalt  }
0x7f: {  	_ =	shalt  }
0x80: {  	_ =	shalt  }
0x81: {  	_ =	shalt  }
0x82: {  	_ =	shalt  }
0x83: {  	_ =	shalt  }
0x84: {  	_ =	shalt  }
0x85: {  	_ =	shalt  }
0x86: {  	_ =	shalt  }
0x87: {  	_ =	shalt  }
.Lfunc_end0:
.L_simem_size_0:
called_computation.1_lowered:
.L_overlay_start_0:
0x88: {  	s2 =	sld [smem:$0x3FD9]  }
0x89: {  	s3 =	sld [smem:$0x3FFE];
	_ =	sdelay $0x1  }
0x8a: {  	s1 =	srdreg.scid  }
0x8b: {  	s0 =	sand.u32 $0x1, s1  }
0x8c: {  	s17 =	sshll.u32 s0, $0xA;
	s2 =	sadd.s32 s3, s2  }
0x8d: {  	s2 =	sadd.s32 s2, s17  }
0x8e: {  	[smem:$0x3FC4] =	sst s2  }
0x8f: {  	_ = 	snop  }
0x90: {  	s18 =	sld [smem:$0x3FD0];
	(tm) =	ssettm $0x1  }
0x91: {  	s19 =	sld [smem:$0x3FFB];
	_ =	sdelay $0x3  }
0x92: {  	_ =	strace s19  }
0x93: {  	s2 =	sld [smem:$0x3FFC];
	_ =	sdelay $0x3  }
0x94: {  	_ =	strace s2  }
0x95: {  	s2 =	sld [smem:$0x3FFD];
	_ =	sdelay $0x3  }
0x96: {  	_ =	strace s2  }
0x97: {  	_ =	strace $0x8FFFFFFF  }
0x98: {  	s20 =	sld [smem:$0x3FDB];
	_ =	sdelay $0x1  }
0x99: {  	s4 =	simm.s32 $_scs_section_size  }
0x9a: {  	s5 =	simm.s32 $_size__tile_overlayer_lowered;
	s6 =	simm.s32 $_tile_overlayer_lowered  }
0x9b: {  	s7 =	simm.s32 $0x1BFF;
	s21 =	sshll.u32 s6, $0x1;
	s4 =	sadd.s32 s4, s20  }
0x9c: {  	s22 =	simm.s32 $0x0;
	s5 =	sshll.u32 s5, $0x1;
	s6 =	sadd.s32 s21, s4  }
0x9d: {  	[timem:s22], [sflag:s7] =	dma.local [hbm:s6], s5  }
0x9e: {  	_ =	swait.ge [sflag:s7], s5  }
0x9f: {  	s5 =	ssub.s32 $0x0, s5;
	[sflag:s7] =	ssyncset.done $0x0  }
0xa0: {  	[sflag:s7] =	ssyncadd.s32 s5;
	_ =	sdelay $0x1  }
0xa1: {  	s23 =	simm.s32 $0x1B8B  }
0xa2: {  	_ =	swait.ge [sflag:s23], $0x1  }
0xa3: {  	[sflag:s23] =	ssyncset.done $0x0  }
0xa4: {  	[sflag:s23] =	ssyncadd.s32 $0xFFFFFFFF  }
0xa5: {  	s5 =	sld [smem:$0x0]  }
0xa6: {  	s6 =	sand.u32 $0xFFFFFFFE, s1  }
0xa7: {  	p0 =	sne.s32 s1, s6  }
0xa8: {  	s6 =	sshll.u32 @p0 s6, $0xE  }
0xa9: {  	s6 =	sadd.s32 @p0 $0x11B8D, s6;
	s7 =	sshll.u32 @p0 s5, $0x11  }
0xaa: {  	s6 =	sor.u32 @p0 s7, s6  }
0xab: {  	[sflag:s6] =	ssyncadd.remote.s32 @p0 $0x1;
	_ =	sdelay $0x1  }
0xac: {  	s6 =	simm.s32 @p0 $0x1B8D  }
0xad: {  	_ =	swait.eq @p0 [sflag:s6], $0x1  }
0xae: {  	[sflag:s6] =	ssyncadd.s32 @p0 $0xFFFFFFFF  }
0xaf: {  	s7 =	sshll.u32 @!p0 s1, $0xE  }
0xb0: {  	s7 =	sor.u32 @!p0 $0x4000, s7;
	s6 =	simm.s32 @!p0 $0x1B8D  }
0xb1: {  	s5 =	sshll.u32 @!p0 s5, $0x11;
	s7 =	sadd.s32 @!p0 $0x11B8D, s7;
	_ =	swait.eq @!p0 [sflag:s6], $0x1  }
0xb2: {  	s5 =	sor.u32 @!p0 s5, s7;
	[sflag:s6] =	ssyncadd.s32 @!p0 $0xFFFFFFFF  }
0xb3: {  	s25 =	simm.s32 $0x1B8E;
	s24 =	sld [smem:$0x3FFE];
	[sflag:s5] =	ssyncadd.remote.s32 @!p0 $0x1  }
0xb4: {  	s26 =	simm.s32 $execute0_lowered;
	[smem:$0x3FD2] =	sst s25  }
0xb5: {  	s6 =	sshll.u32 s26, $0x1;
	_ =	strace $0x80000049;
	[dreg:$0x1] =	wrdreg $0xFFFFFFFF  }
0xb6: {  	s28 =	simm.s32 $_size_execute0_lowered;
	s4 =	sadd.s32 s4, s6;
	[dreg:$0x0] =	wrdreg $0x0  }
0xb7: {  	s6 =	sshll.u32 s28, $0x1;
	[dreg:$0x2] =	wrdreg s4  }
0xb8: {  	[dreg:$0x3] =	wrdreg s6  }
0xb9: {  	[dreg:$0x4] =	wrdreg $0xC0  }
0xba: {  	_ =	task [dreg:s22], $0x5FFFF  }
0xbb: {  	[dreg:$0x1] =	wrdreg $0xFFFFFFFF  }
0xbc: {  	[dreg:$0x0] =	wrdreg $0x60  }
0xbd: {  	[dreg:$0x2] =	wrdreg s24  }
0xbe: {  	[dreg:$0x3] =	wrdreg s18  }
0xbf: {  	[dreg:$0x4] =	wrdreg $0xA8000  }
0xc0: {  	[dreg:$0x5] =	wrdreg $0xA  }
0xc1: {  	_ =	task.clear_ibuf [dreg:s22], $0x6FFFF;
	_ =	strace $0x90000049  }
0xc2: {  	s29 =	simm.s32 $0xA;
	_ =	strace $0x8000004B  }
0xc3: {  	_ =	swait.ge [sflag:s29], $0x1  }
0xc4: {  	[sflag:s29] =	ssyncadd.s32 $0xFFFFFFFF  }
0xc5: {  	_ =	strace $0x9000004B  }
0xc6: {  	_ =	sfence  }
0xc7: {  	s30 =	sld [smem:$0x0];
	_ =	sdelay $0x2  }
0xc8: {  	s31 =	sshll.u32 s1, $0xD;
	s1 =	sshrl.u32 s1, $0x2  }
0xc9: {  	s4 =	sand.u32 $0x4000, s31;
	s1 =	sadd.s32 s1, s30  }
0xca: {  	s0 =	sor.u32 s4, s0;
	s1 =	sshll.u32 s1, $0x11  }
0xcb: {  	s0 =	sor.u32 s1, s0  }
0xcc: {  	s0 =	sadd.s32 $0x8F2B, s0  }
0xcd: {  	[sflag:s0] =	ssyncadd.remote.s32 $0x1  }
0xce: {  	_ =	sfence.sel $0xFFFF  }
0xcf: {  	[dreg:$0x0] =	wrdreg $0xFFFFFFFF;
	(pc) =	sbr.abs _section_cstart, $3  }
0xd0: {  	[dreg:$0x1] =	wrdreg $0xFFFFFFFF  }
0xd1: {  	_ =	task.clear_ibuf [dreg:s22], $0x2FFFF;
	_ =	strace $0x9FFFFFFF  }
0xd2: {  	(tm) =	ssettm $0x7FFFFFFF  }
0xd3: {  	_ =	shalt  }
tec
execute0_lowered:
.L_overlay_start_1:
0x0: {  	(tag) =	ssettag $0x1  }
0x1: {  	s5 =	rddreg [dreg:$0x0]  }
0x2: {  	s6 =	rddreg [dreg:$0x1]  }
0x3: {  	s1 =	rddreg [dreg:$0x2];
	s2 =	srdreg.scid  }
0x4: {  	s0 =	rddreg [dreg:$0x3];
	s3 =	simm.s32 $0x0;
	s15 =	simm.s32 $0x2800  }
0x5: {  	s16 =	simm.s32 $0x1;
	s17 =	simm.s32 $0x3;
	s18 =	simm.s32 $0x80  }
0x6: {  	s19 =	simm.s32 $0x6800;
	s20 =	simm.s32 $0x4;
	s21 =	simm.s32 $0x2  }
0x7: {  	s22 =	simm.s32 $0x1080;
	s23 =	simm.s32 $0x2400;
	s24 =	simm.s32 $0x2480  }
0x8: {  	s25 =	simm.s32 $0x0;
	s7 =	sand.u32 $0x1, s2;
	s2 =	stileid.u32  }
0x9: {  	[smem:$0x7FF] =	sst s3;
	s4 =	sshll.u32 s7, $0x4;
	s8 =	smul.u32 $0x140000, s7  }
0xa: {  	s10 =	smul.u32 $0x14000, s2;
	_ =	strace $0x8000004A;
	s7 =	ssub.s32 $0x2, s7  }
0xb: {  	s30 =	smul.u32 $0x50000, s2;
	s9 =	sor.u32 s2, s4;
	s4 =	sadd.s32 $0xF5A00, s5  }
0xc: {  	s12 =	sshrl.u32 s7, $0x1;
	s9 =	smul.u32 $0x280, s9;
	s8 =	sadd.s32 s10, s8  }
0xd: {  	s14 =	ssub.s32 s7, s12;
	s31 =	sshrl.u32 s30, $0x2;
	s8 =	sshrl.u32 s8, $0x3  }
0xe: {  	s7 =	sadd.s32 s31, s1;
	s11 =	sadd.s32 s9, s5;
	s13 =	sadd.s32 s8, s5  }
0xf: {  	s5 =	sadd.s32 s6, s9;
	s8 =	sadd.s32 $0x4000, s7;
	s9 =	sadd.s32 $0x8000, s7  }
0x10: {  	s10 =	sadd.s32 $0xC000, s7;
	s6 =	sadd.s32 $0xF0A00, s11;
	s11 =	sadd.s32 $0x10000, s7  }
0x11: {  	v0 =	vimm.f32 $0.0e+00;
	s12 =	sadd.s32 $0x2A3600, s13;
	s13 =	smax.u32 s14, $0x1;
	s14 =	simm.s32 $0x1400  }
.LBB2_1:
0x12: {  	[tilespmem:s3], [sflag:$0x3] =	stream.linear.gather [hbm4b:s5+s3], $0x1100, $0x38;
	[tilespmem:$0x1E800] =	vst v63  }
0x13: {  	s26 =	simm.s32 $0x0;
	s28 =	simm.s32 $0x200  }
0x14: {  	[tilespmem:s14], [sflag:$0x3] =	stream.linear.gather [hbm4b:s6+s3], $0x1100, $0x38;
	[tilespmem:$0x1E800] =	vst v63  }
.LBB2_2:
0x15: {  	p0 =	sne.s32 s28, $0xFE00;
	[tilespmem:s26+$0x2870] =	vst v0  }
0x16: {  	[tilespmem:s26+$0x2800] =	vst v0  }
0x17: {  	[tilespmem:s26+$0x2810] =	vst v0  }
.Ltmp0:
0x18: {  	[tilespmem:s26+$0x2820] =	vst v0;
	(pc) =	sbr.rel @p0 .LBB2_2-.Ltmp0, $4  }
0x19: {  	[tilespmem:s26+$0x2830] =	vst v0  }
0x1a: {  	[tilespmem:s26+$0x2840] =	vst v0  }
0x1b: {  	[tilespmem:s26+$0x2850] =	vst v0  }
0x1c: {  	[tilespmem:s26+$0x2860] =	vst v0;
	s26 =	sshra.s32 s28, $0x2;
	s28 =	sadd.s32 $0x200, s28  }
0x1d: {  	[tilespmem:s26+$0x2870] =	vst v0  }
0x1e: {  	[tilespmem:s26+$0x2800] =	vst v0  }
0x1f: {  	[tilespmem:s26+$0x2810] =	vst v0  }
0x20: {  	[tilespmem:s26+$0x2820] =	vst v0  }
0x21: {  	[tilespmem:s26+$0x2830] =	vst v0  }
0x22: {  	[tilespmem:s26+$0x2840] =	vst v0  }
0x23: {  	[tilespmem:s26+$0x2850] =	vst v0  }
0x24: {  	[tilespmem:s26+$0x2860] =	vst v0  }
0x25: {  	[spmem:s7] =	stream.linear.scatter [tilespmem:s15], [sflag:$0x1], $0x4000, $0x38;
	[tilespmem:$0x1E800] =	vst v63  }
0x26: {  	_ = 	snop  }
0x27: {  	[spmem:s8] =	stream.linear.scatter [tilespmem:s15], [sflag:$0x1], $0x4000, $0x38;
	[tilespmem:$0x1E800] =	vst v63  }
0x28: {  	_ = 	snop  }
0x29: {  	[spmem:s9] =	stream.linear.scatter [tilespmem:s15], [sflag:$0x1], $0x4000, $0x38;
	[tilespmem:$0x1E800] =	vst v63  }
0x2a: {  	_ = 	snop  }
0x2b: {  	[spmem:s10] =	stream.linear.scatter [tilespmem:s15], [sflag:$0x1], $0x4000, $0x38;
	[tilespmem:$0x1E800] =	vst v63  }
0x2c: {  	_ = 	snop  }
0x2d: {  	[spmem:s11] =	stream.linear.scatter [tilespmem:s15], [sflag:$0x1], $0x4000, $0x38;
	[tilespmem:$0x1E800] =	vst v63  }
0x2e: {  	_ =	swait.ge [sflag:s16], $0x4000  }
0x2f: {  	[sflag:s16] =	ssyncset.done $0x0  }
0x30: {  	[sflag:s16] =	ssyncadd.s32 $0xFFFFC000  }
0x31: {  	_ =	swait.ge [sflag:s16], $0x4000  }
0x32: {  	[sflag:s16] =	ssyncset.done $0x0  }
0x33: {  	[sflag:s16] =	ssyncadd.s32 $0xFFFFC000  }
0x34: {  	_ =	swait.ge [sflag:s16], $0x4000  }
0x35: {  	[sflag:s16] =	ssyncset.done $0x0  }
0x36: {  	[sflag:s16] =	ssyncadd.s32 $0xFFFFC000  }
0x37: {  	_ =	swait.ge [sflag:s16], $0x4000  }
0x38: {  	[sflag:s16] =	ssyncset.done $0x0  }
0x39: {  	[sflag:s16] =	ssyncadd.s32 $0xFFFFC000  }
0x3a: {  	_ =	swait.ge [sflag:s16], $0x4000  }
0x3b: {  	[sflag:s16] =	ssyncset.done $0x0  }
0x3c: {  	[sflag:s16] =	ssyncadd.s32 $0xFFFFC000  }
0x3d: {  	_ =	swait.ge [sflag:s17], $0x1100  }
0x3e: {  	[sflag:s17] =	ssyncset.done $0x0  }
0x3f: {  	[sflag:s17] =	ssyncadd.s32 $0xFFFFEF00  }
0x40: {  	_ =	swait.ge [sflag:s17], $0x1100  }
0x41: {  	[sflag:s17] =	ssyncset.done $0x0  }
0x42: {  	s31 =	simm.s32 $0x0;
	[sflag:s17] =	ssyncadd.s32 $0xFFFFEF00  }
0x43: {  	[tilespmem:s15], [sflag:$0x1] =	stream.indirect.gather [hbm4b:s4+s18], $0x80, s31, s18, $0xb8;
	[tilespmem:$0x1E800] =	vst v63  }
0x44: {  	[bflag:$0x0] =	sbarrier.arrive $0xFFFF  }
0x45: {  	_ =	swait.ge [sflag:s16], $0x4000  }
0x46: {  	[sflag:s16] =	ssyncset.done $0x0  }
0x47: {  	s28 =	simm.s32 $0x80;
	[sflag:s16] =	ssyncadd.s32 $0xFFFFC000  }
0x48: {  	[tilespmem:s19], [sflag:$0x2] =	stream.indirect.gather [hbm4b:s4+s18], $0x80, s28, s18, $0xb8;
	[tilespmem:$0x1E800] =	vst v63  }
0x49: {  	s29 =	simm.s32 $0x1400  }
0x4a: {  	[spmem:s1] =	stream.indirect.scatter.add.f32 [tilespmem:s15], [sflag:$0x4], $0x80, s29, s18, $0xb8;
	[tilespmem:$0x1E800] =	vst v63  }
0x4b: {  	_ =	swait.ge [sflag:s20], $0x4000  }
0x4c: {  	[sflag:s20] =	ssyncset.done $0x0  }
0x4d: {  	[sflag:s20] =	ssyncadd.s32 $0xFFFFC000  }
0x4e: {  	_ =	swait.ge [sflag:s21], $0x4000  }
0x4f: {  	[sflag:s21] =	ssyncset.done $0x0  }
0x50: {  	s30 =	simm.s32 $0x100;
	[sflag:s21] =	ssyncadd.s32 $0xFFFFC000  }
0x51: {  	[tilespmem:s15], [sflag:$0x1] =	stream.indirect.gather [hbm4b:s4+s18], $0x80, s30, s18, $0xb8;
	[tilespmem:$0x1E800] =	vst v63  }
0x52: {  	s31 =	simm.s32 $0x1480  }
0x53: {  	[spmem:s1] =	stream.indirect.scatter.add.f32 [tilespmem:s19], [sflag:$0x4], $0x80, s31, s18, $0xb8;
	[tilespmem:$0x1E800] =	vst v63  }
0x54: {  	_ =	swait.ge [sflag:s20], $0x4000  }
0x55: {  	s26 =	simm.s32 $0x400;
	[sflag:s20] =	ssyncset.done $0x0  }
.LBB2_4:
0x56: {  	p0 =	sne.s32 s26, $0x3C00  }
0x57: {  	[sflag:s20] =	ssyncadd.s32 $0xFFFFC000;
	s28 =	smov.u32 s26;
	s26 =	sadd.s32 $0x400, s26  }
0x58: {  	_ = 	snop  }
0x59: {  	_ =	swait.ge [sflag:s16], $0x4000  }
0x5a: {  	s28 =	sshra.s32 s28, $0x2;
	[sflag:s16] =	ssyncset.done $0x0  }
0x5b: {  	s29 =	sadd.s32 $0x80, s28;
	[sflag:s16] =	ssyncadd.s32 $0xFFFFC000  }
0x5c: {  	[tilespmem:s19], [sflag:$0x2] =	stream.indirect.gather [hbm4b:s4+s18], $0x80, s29, s18, $0xb8;
	[tilespmem:$0x1E800] =	vst v63  }
0x5d: {  	s29 =	sadd.s32 $0x1400, s28  }
0x5e: {  	[spmem:s1] =	stream.indirect.scatter.add.f32 [tilespmem:s15], [sflag:$0x4], $0x80, s29, s18, $0xb8;
	[tilespmem:$0x1E800] =	vst v63  }
0x5f: {  	_ =	swait.ge [sflag:s20], $0x4000  }
0x60: {  	[sflag:s20] =	ssyncset.done $0x0  }
0x61: {  	[sflag:s20] =	ssyncadd.s32 $0xFFFFC000  }
0x62: {  	_ =	swait.ge [sflag:s21], $0x4000  }
0x63: {  	[sflag:s21] =	ssyncset.done $0x0  }
0x64: {  	s29 =	sadd.s32 $0x100, s28;
	[sflag:s21] =	ssyncadd.s32 $0xFFFFC000  }
0x65: {  	[tilespmem:s15], [sflag:$0x1] =	stream.indirect.gather [hbm4b:s4+s18], $0x80, s29, s18, $0xb8;
	[tilespmem:$0x1E800] =	vst v63  }
.Ltmp1:
0x66: {  	_ = 	snop;
	(pc) =	sbr.rel @p0 .LBB2_4-.Ltmp1, $4  }
0x67: {  	s28 =	sadd.s32 $0x1480, s28  }
0x68: {  	[spmem:s1] =	stream.indirect.scatter.add.f32 [tilespmem:s19], [sflag:$0x4], $0x80, s28, s18, $0xb8;
	[tilespmem:$0x1E800] =	vst v63  }
0x69: {  	_ =	swait.ge [sflag:s20], $0x4000  }
0x6a: {  	[sflag:s20] =	ssyncset.done $0x0  }
0x6b: {  	[sflag:s20] =	ssyncadd.s32 $0xFFFFC000  }
0x6c: {  	_ =	swait.ge [sflag:s16], $0x4000  }
0x6d: {  	[sflag:s16] =	ssyncset.done $0x0  }
0x6e: {  	[sflag:s16] =	ssyncadd.s32 $0xFFFFC000  }
0x6f: {  	[tilespmem:s19], [sflag:$0x2] =	stream.indirect.gather [hbm4b:s4+s18], $0x80, s22, s18, $0xb8;
	[tilespmem:$0x1E800] =	vst v63  }
0x70: {  	_ = 	snop  }
0x71: {  	[spmem:s1] =	stream.indirect.scatter.add.f32 [tilespmem:s15], [sflag:$0x4], $0x80, s23, s18, $0xb8;
	[tilespmem:$0x1E800] =	vst v63  }
0x72: {  	_ =	swait.ge [sflag:s20], $0x4000  }
0x73: {  	[sflag:s20] =	ssyncset.done $0x0  }
0x74: {  	[sflag:s20] =	ssyncadd.s32 $0xFFFFC000  }
0x75: {  	_ =	swait.ge [sflag:s21], $0x4000  }
0x76: {  	[sflag:s21] =	ssyncset.done $0x0  }
0x77: {  	[sflag:s21] =	ssyncadd.s32 $0xFFFFC000  }
0x78: {  	[spmem:s1] =	stream.indirect.scatter.add.f32 [tilespmem:s19], [sflag:$0x4], $0x80, s24, s18, $0xb8;
	[tilespmem:$0x1E800] =	vst v63  }
0x79: {  	_ =	swait.ge [sflag:s20], $0x4000  }
0x7a: {  	s26 =	sshll.u32 s2, $0x6;
	s25 =	sadd.s32 $0x1, s25;
	[sflag:s20] =	ssyncset.done $0x0  }
0x7b: {  	s28 =	sshrl.u32 s7, $0x3;
	p0 =	sne.s32 s25, s13;
	[sflag:s20] =	ssyncadd.s32 $0xFFFFC000  }
.Ltmp2:
0x7c: {  	s26 =	sor.u32 $0x1C04, s26;
	[bflag:$0x0] =	sbarrier.arrive $0xFFFF;
	(pc) =	sbr.rel @p0 .LBB2_1-.Ltmp2, $4  }
0x7d: {  	[hbm:s12], [sflag:s26] =	dma.local [spmem:s28], $0x2800  }
0x7e: {  	_ =	swait.ge [sflag:s20], $0x2800  }
0x7f: {  	[sflag:s20] =	ssyncset.done $0x0  }
0x80: {  	[sflag:s20] =	ssyncadd.s32 $0xFFFFD800  }
0x81: {  	_ =	sfence.sel $0x180000  }
0x82: {  	[bflag:$0x0] =	sbarrier.arrive $0xFFFF  }
0x83: {  	p0 =	sne.s32 s2, $0x0;
	_ =	strace $0x9000004A  }
0x84: {  	s0 =	sadd.s32 @!p0 $0x100000, s0;
	[bflag:$0x2] =	sbarrier.arrive $0xFFFF  }
0x85: {  	[sflag:s0] =	ssyncadd.tile.s32 @!p0 $0x1;
	_ =	shalt  }
.Lfunc_end2:
_tile_overlayer_lowered:
.L_overlay_start_2:
0x86: {  	(tag) =	ssettag $0x2  }
0x87: {  	s0 =	rddreg [dreg:$0x0];
	s2 =	stileid.u32  }
0x88: {  	s1 =	rddreg [dreg:$0x1];
	p0 =	sne.s32 s2, $0x0  }
0x89: {  	s3 =	rddreg [dreg:$0x2];
	[bflag:$0x3] =	sbarrier.arrive $0xFFFF;
	s2 =	simm.s32 @!p0 $0x1C04  }
0x8a: {  	[timem:s3], [sflag:s2] =	dma.local @!p0 [hbm:s0], s1  }
0x8b: {  	s0 =	simm.s32 @!p0 $0x4  }
0x8c: {  	_ =	swait.ge @!p0 [sflag:s0], s1  }
0x8d: {  	s1 =	ssub.s32 @!p0 $0x0, s1;
	[sflag:s0] =	ssyncset.done @!p0 $0x0  }
0x8e: {  	[sflag:s0] =	ssyncadd.s32 @!p0 s1  }
0x8f: {  	[bflag:$0x3] =	sbarrier.arrive $0xFFFF  }
0x90: {  	_ =	shalt  }

// kernel: kernel.16.cloned.1.call-start
scs
__scs_entry_jumppad:
0x0: {  	(pc) =	sbr.rel $0x88, $3  }
0x1: {  	(tag) =	ssettag $0x0;
	lr =	simm.s32 $0x1  }
0x2: {  	[smem:$0x3F9D] =	sst lr;
	_ =	strace $0xD0000000  }
0x3: {  	_ = 	snop  }
0x4: {  	_ = 	snop  }
0x5: {  	_ = 	snop  }
0x6: {  	_ = 	snop  }
0x7: {  	_ = 	snop  }
__scs_overlays_trampoline_lowered:
0x8: {  	[smem:$0x3FAC] =	sst s0  }
0x9: {  	[smem:$0x3FAD] =	sst s1  }
0xa: {  	[smem:$0x3FAE] =	sst s2  }
0xb: {  	[smem:$0x3FAF] =	sst s3  }
0xc: {  	[smem:$0x3FB0] =	sst s4  }
0xd: {  	[smem:$0x3FB1] =	sst s5  }
0xe: {  	[smem:$0x3FB2] =	sst s6  }
0xf: {  	[smem:$0x3FB3] =	sst s7  }
0x10: {  	[smem:$0x3FB4] =	sst s8  }
0x11: {  	[smem:$0x3FB5] =	sst s9;
	s0 =	simm.s32 @!p0 $0x0  }
0x12: {  	s1 =	sld [smem:$0x3F9B];
	s0 =	simm.s32 @p0 $0x1  }
0x13: {  	[smem:$0x3FB6] =	sst s0;
	s0 =	simm.s32 @!p1 $0x0  }
0x14: {  	s2 =	sld [smem:$0x3F9A];
	s0 =	simm.s32 @p1 $0x1  }
0x15: {  	[smem:$0x3FB7] =	sst s0;
	s0 =	simm.s32 @!p2 $0x0  }
0x16: {  	s3 =	sld [smem:$0x3FDB];
	s0 =	simm.s32 @p2 $0x1  }
0x17: {  	s4 =	simm.s32 $0x1BF5;
	[smem:$0x3FB9] =	sst s0  }
0x18: {  	s0 =	sld [smem:$0x3F9C];
	_ =	swait.ge [sflag:s4], $0x0  }
0x19: {  	s7 =	sld [smem:$0x3F9D]  }
0x1a: {  	s8 =	sadd.s32 $0xFFFFE003, lr  }
0x1b: {  	s9 =	sadd.s32 $0xFFFFFEF7, lr;
	s5 =	simm.s32 $0xFFFFFFFF;
	p2 =	slt.u32 s8, $0xFFFFF086  }
0x1c: {  	p1 =	slt.u32 s9, $0xF7A;
	s5 =	simm.s32 @!p2 $0x0  }
0x1d: {  	s5 =	simm.s32 @p1 $0x1;
	p0 =	seq.s32 s7, s2  }
0x1e: {  	s7 =	smul.u32 @!p0 $0xF7A, s2;
	p2 =	seq.s32 @!p0 s5, $0x0  }
0x1f: {  	s9 =	smul.u32 $0xF7A, s1;
	s8 =	simm.s32 @!p0 $0x1BF5;
	p2 =	por !p2, p0  }
0x20: {  	[sflag:s8] =	ssyncset.s32 @!p0 $0xFFFFF086;
	s6 =	sadd.s32 @!p0 s3, s7;
	s7 =	simm.s32 @!p0 $0x108  }
0x21: {  	s3 =	sadd.s32 s3, s9;
	s6 =	sadd.s32 @!p0 $0x88, s6;
	s7 =	simm.s32 @p2 $0x1082  }
0x22: {  	[simem:s7], [sflag:s8] =	dma.local @!p0 [hbm:s6], $0xF7A  }
0x23: {  	s9 =	sor.u32 $0xD0000000, s2;
	s6 =	simm.s32 $0x108;
	_ =	swait.ge @!p0 [sflag:s8], $0x0  }
0x24: {  	s3 =	sadd.s32 $0x88, s3;
	s6 =	simm.s32 @!p1 $0x1082;
	[sflag:s4] =	ssyncset.s32 $0xFFFFF086  }
0x25: {  	[simem:s6], [sflag:s4] =	dma.local [hbm:s3], $0xF7A  }
0x26: {  	[smem:$0x3F9D] =	sst s1;
	(tag) =	ssettag s2;
	_ =	strace s9  }
0x27: {  	s1 =	sld [smem:$0x3FAD]  }
0x28: {  	s2 =	sld [smem:$0x3FAE]  }
0x29: {  	s4 =	sld [smem:$0x3FB0]  }
0x2a: {  	p0 =	seq.s32 s5, $0x0;
	s5 =	sld [smem:$0x3FB1]  }
0x2b: {  	s6 =	sld [smem:$0x3FB2]  }
0x2c: {  	s7 =	sld [smem:$0x3FB3]  }
0x2d: {  	s3 =	simm.s32 $0x108;
	s8 =	sld [smem:$0x3FB4]  }
0x2e: {  	s3 =	simm.s32 @!p0 $0x1082;
	s9 =	sld [smem:$0x3FB5]  }
0x2f: {  	lr =	sadd.s32 s0, s3;
	s0 =	sld [smem:$0x3FAC]  }
0x30: {  	s3 =	sld [smem:$0x3FAF]  }
0x31: {  	[smem:$0x3FB8] =	sst s10  }
0x32: {  	s10 =	sld [smem:$0x3FB6];
	_ =	sdelay $0x3  }
0x33: {  	p0 =	seq.s32 s10, $0x1;
	s10 =	sld [smem:$0x3FB8];
	_ =	sdelay $0x3  }
0x34: {  	[smem:$0x3FB8] =	sst s10  }
0x35: {  	s10 =	sld [smem:$0x3FB7];
	_ =	sdelay $0x3  }
0x36: {  	p1 =	seq.s32 s10, $0x1;
	s10 =	sld [smem:$0x3FB8];
	_ =	sdelay $0x3  }
0x37: {  	[smem:$0x3FB8] =	sst s10  }
0x38: {  	s10 =	sld [smem:$0x3FB9]  }
0x39: {  	_ = 	snop;
	(pc) =	sbr.ind lr, $3  }
0x3a: {  	_ = 	snop  }
0x3b: {  	_ = 	snop  }
0x3c: {  	p2 =	seq.s32 s10, $0x1;
	s10 =	sld [smem:$0x3FB8]  }
0x3d: {  	_ =	shalt  }
0x3e: {  	_ =	shalt  }
0x3f: {  	_ =	shalt  }
0x40: {  	_ =	shalt  }
0x41: {  	_ =	shalt  }
0x42: {  	_ =	shalt  }
0x43: {  	_ =	shalt  }
0x44: {  	_ =	shalt  }
0x45: {  	_ =	shalt  }
0x46: {  	_ =	shalt  }
0x47: {  	_ =	shalt  }
0x48: {  	_ =	shalt  }
0x49: {  	_ =	shalt  }
0x4a: {  	_ =	shalt  }
0x4b: {  	_ =	shalt  }
0x4c: {  	_ =	shalt  }
0x4d: {  	_ =	shalt  }
0x4e: {  	_ =	shalt  }
0x4f: {  	_ =	shalt  }
0x50: {  	_ =	shalt  }
0x51: {  	_ =	shalt  }
0x52: {  	_ =	shalt  }
0x53: {  	_ =	shalt  }
0x54: {  	_ =	shalt  }
0x55: {  	_ =	shalt  }
0x56: {  	_ =	shalt  }
0x57: {  	_ =	shalt  }
0x58: {  	_ =	shalt  }
0x59: {  	_ =	shalt  }
0x5a: {  	_ =	shalt  }
0x5b: {  	_ =	shalt  }
0x5c: {  	_ =	shalt  }
0x5d: {  	_ =	shalt  }
0x5e: {  	_ =	shalt  }
0x5f: {  	_ =	shalt  }
0x60: {  	_ =	shalt  }
0x61: {  	_ =	shalt  }
0x62: {  	_ =	shalt  }
0x63: {  	_ =	shalt  }
0x64: {  	_ =	shalt  }
0x65: {  	_ =	shalt  }
0x66: {  	_ =	shalt  }
0x67: {  	_ =	shalt  }
0x68: {  	_ =	shalt  }
0x69: {  	_ =	shalt  }
0x6a: {  	_ =	shalt  }
0x6b: {  	_ =	shalt  }
0x6c: {  	_ =	shalt  }
0x6d: {  	_ =	shalt  }
0x6e: {  	_ =	shalt  }
0x6f: {  	_ =	shalt  }
0x70: {  	_ =	shalt  }
0x71: {  	_ =	shalt  }
0x72: {  	_ =	shalt  }
0x73: {  	_ =	shalt  }
0x74: {  	_ =	shalt  }
0x75: {  	_ =	shalt  }
0x76: {  	_ =	shalt  }
0x77: {  	_ =	shalt  }
0x78: {  	_ =	shalt  }
0x79: {  	_ =	shalt  }
0x7a: {  	_ =	shalt  }
0x7b: {  	_ =	shalt  }
0x7c: {  	_ =	shalt  }
0x7d: {  	_ =	shalt  }
0x7e: {  	_ =	shalt  }
0x7f: {  	_ =	shalt  }
0x80: {  	_ =	shalt  }
0x81: {  	_ =	shalt  }
0x82: {  	_ =	shalt  }
0x83: {  	_ =	shalt  }
0x84: {  	_ =	shalt  }
0x85: {  	_ =	shalt  }
0x86: {  	_ =	shalt  }
0x87: {  	_ =	shalt  }
.Lfunc_end0:
.L_simem_size_0:
called_computation.2_lowered:
.L_overlay_start_0:
0x88: {  	s2 =	sld [smem:$0x3FD9]  }
0x89: {  	s3 =	sld [smem:$0x3FFE];
	_ =	sdelay $0x1  }
0x8a: {  	s1 =	srdreg.scid  }
0x8b: {  	s0 =	sand.u32 $0x1, s1  }
0x8c: {  	s17 =	sshll.u32 s0, $0xA;
	s2 =	sadd.s32 s3, s2  }
0x8d: {  	s2 =	sadd.s32 s2, s17  }
0x8e: {  	[smem:$0x3FC4] =	sst s2  }
0x8f: {  	_ = 	snop  }
0x90: {  	(tm) =	ssettm $0x1  }
0x91: {  	s18 =	sld [smem:$0x3FFB];
	_ =	sdelay $0x3  }
0x92: {  	_ =	strace s18  }
0x93: {  	s2 =	sld [smem:$0x3FFC];
	_ =	sdelay $0x3  }
0x94: {  	_ =	strace s2  }
0x95: {  	s2 =	sld [smem:$0x3FFD];
	_ =	sdelay $0x3  }
0x96: {  	_ =	strace s2  }
0x97: {  	_ =	strace $0x8FFFFFFF  }
0x98: {  	s19 =	sld [smem:$0x3FDB];
	_ =	sdelay $0x1  }
0x99: {  	s20 =	simm.s32 $_scs_section_size  }
0x9a: {  	s4 =	simm.s32 $_size__tile_overlayer_lowered;
	s5 =	simm.s32 $_tile_overlayer_lowered  }
0x9b: {  	s6 =	simm.s32 $0x1BFF;
	s21 =	sshll.u32 s5, $0x1;
	s3 =	sadd.s32 s20, s19  }
0x9c: {  	s22 =	simm.s32 $0x0;
	s4 =	sshll.u32 s4, $0x1;
	s5 =	sadd.s32 s21, s3  }
0x9d: {  	[timem:s22], [sflag:s6] =	dma.local [hbm:s5], s4  }
0x9e: {  	_ =	swait.ge [sflag:s6], s4  }
0x9f: {  	s4 =	ssub.s32 $0x0, s4;
	[sflag:s6] =	ssyncset.done $0x0  }
0xa0: {  	[sflag:s6] =	ssyncadd.s32 s4;
	_ =	sdelay $0x1  }
0xa1: {  	s23 =	simm.s32 $0x1B8B  }
0xa2: {  	_ =	swait.ge [sflag:s23], $0x1  }
0xa3: {  	[sflag:s23] =	ssyncset.done $0x0  }
0xa4: {  	[sflag:s23] =	ssyncadd.s32 $0xFFFFFFFF  }
0xa5: {  	s4 =	sld [smem:$0x0]  }
0xa6: {  	s5 =	sand.u32 $0xFFFFFFFE, s1  }
0xa7: {  	p0 =	sne.s32 s1, s5  }
0xa8: {  	s5 =	sshll.u32 @p0 s5, $0xE  }
0xa9: {  	s5 =	sadd.s32 @p0 $0x11B8D, s5;
	s6 =	sshll.u32 @p0 s4, $0x11  }
0xaa: {  	s5 =	sor.u32 @p0 s6, s5  }
0xab: {  	[sflag:s5] =	ssyncadd.remote.s32 @p0 $0x1;
	_ =	sdelay $0x1  }
0xac: {  	s5 =	simm.s32 @p0 $0x1B8D  }
0xad: {  	_ =	swait.eq @p0 [sflag:s5], $0x1  }
0xae: {  	[sflag:s5] =	ssyncadd.s32 @p0 $0xFFFFFFFF  }
0xaf: {  	s6 =	sshll.u32 @!p0 s1, $0xE  }
0xb0: {  	s6 =	sor.u32 @!p0 $0x4000, s6;
	s5 =	simm.s32 @!p0 $0x1B8D  }
0xb1: {  	s4 =	sshll.u32 @!p0 s4, $0x11;
	s6 =	sadd.s32 @!p0 $0x11B8D, s6;
	_ =	swait.eq @!p0 [sflag:s5], $0x1  }
0xb2: {  	s4 =	sor.u32 @!p0 s4, s6;
	[sflag:s5] =	ssyncadd.s32 @!p0 $0xFFFFFFFF  }
0xb3: {  	s25 =	simm.s32 $0x1B8E;
	s24 =	sld [smem:$0x3FFE];
	[sflag:s4] =	ssyncadd.remote.s32 @!p0 $0x1  }
0xb4: {  	s26 =	simm.s32 $execute0_lowered;
	[smem:$0x3FD2] =	sst s25  }
0xb5: {  	s5 =	sshll.u32 s26, $0x1;
	_ =	strace $0x8000004C;
	[dreg:$0x1] =	wrdreg $0xFFFFFFFF  }
0xb6: {  	s28 =	simm.s32 $_size_execute0_lowered;
	s3 =	sadd.s32 s3, s5;
	[dreg:$0x0] =	wrdreg $0x0  }
0xb7: {  	s5 =	sshll.u32 s28, $0x1;
	[dreg:$0x2] =	wrdreg s3  }
0xb8: {  	[dreg:$0x3] =	wrdreg s5  }
0xb9: {  	[dreg:$0x4] =	wrdreg $0xC0  }
0xba: {  	_ =	task [dreg:s22], $0x5FFFF  }
0xbb: {  	[dreg:$0x1] =	wrdreg $0xFFFFFFFF  }
0xbc: {  	[dreg:$0x0] =	wrdreg $0x60  }
0xbd: {  	[dreg:$0x2] =	wrdreg s24  }
0xbe: {  	[dreg:$0x3] =	wrdreg $0xA8000  }
0xbf: {  	[dreg:$0x4] =	wrdreg $0xB  }
0xc0: {  	_ =	task.clear_ibuf [dreg:s22], $0x5FFFF;
	_ =	strace $0x9000004C  }
0xc1: {  	s29 =	simm.s32 $0xB;
	_ =	strace $0x8000004E  }
0xc2: {  	_ =	swait.ge [sflag:s29], $0x1  }
0xc3: {  	[sflag:s29] =	ssyncadd.s32 $0xFFFFFFFF  }
0xc4: {  	_ =	strace $0x9000004E  }
0xc5: {  	_ =	sfence  }
0xc6: {  	s30 =	sld [smem:$0x0];
	_ =	sdelay $0x2  }
0xc7: {  	s31 =	sshll.u32 s1, $0xD;
	s1 =	sshrl.u32 s1, $0x2  }
0xc8: {  	s4 =	sand.u32 $0x4000, s31;
	s1 =	sadd.s32 s1, s30  }
0xc9: {  	s0 =	sor.u32 s4, s0;
	s1 =	sshll.u32 s1, $0x11  }
0xca: {  	s0 =	sor.u32 s1, s0  }
0xcb: {  	s0 =	sadd.s32 $0x8F2B, s0  }
0xcc: {  	[sflag:s0] =	ssyncadd.remote.s32 $0x1  }
0xcd: {  	_ =	sfence.sel $0xFFFF  }
0xce: {  	[dreg:$0x0] =	wrdreg $0xFFFFFFFF;
	(pc) =	sbr.abs _section_cstart, $3  }
0xcf: {  	[dreg:$0x1] =	wrdreg $0xFFFFFFFF  }
0xd0: {  	_ =	task.clear_ibuf [dreg:s22], $0x2FFFF;
	_ =	strace $0x9FFFFFFF  }
0xd1: {  	(tm) =	ssettm $0x7FFFFFFF  }
tec
execute0_lowered:
.L_overlay_start_1:
0x0: {  	(tag) =	ssettag $0x1  }
0x1: {  	s5 =	rddreg [dreg:$0x0]  }
0x2: {  	s1 =	rddreg [dreg:$0x1]  }
0x3: {  	s0 =	rddreg [dreg:$0x2]  }
0x4: {  	s3 =	simm.s32 $0x0;
	s2 =	srdreg.scid;
	s14 =	simm.s32 $0x1400  }
0x5: {  	s15 =	simm.s32 $0x2800;
	s16 =	simm.s32 $0x1;
	s17 =	simm.s32 $0x3  }
0x6: {  	s18 =	simm.s32 $0x80;
	s19 =	simm.s32 $0x6800;
	s20 =	simm.s32 $0x4  }
0x7: {  	s21 =	simm.s32 $0x2;
	s22 =	simm.s32 $0x1180;
	s23 =	simm.s32 $0x2500  }
0x8: {  	s24 =	simm.s32 $0x2580;
	[smem:$0x7FF] =	sst s3;
	s6 =	sand.u32 $0x1, s2  }
0x9: {  	s25 =	simm.s32 $0x0;
	s2 =	stileid.u32;
	s7 =	smul.u32 $0x140000, s6  }
0xa: {  	s4 =	sshll.u32 s6, $0x4;
	_ =	strace $0x8000004D;
	s9 =	smul.u32 $0x14000, s2  }
0xb: {  	s6 =	ssub.s32 $0x2, s6;
	s30 =	smul.u32 $0x50000, s2;
	s8 =	sor.u32 s2, s4  }
0xc: {  	s4 =	sadd.s32 $0x2FD600, s5;
	s10 =	sshrl.u32 s6, $0x1;
	s8 =	smul.u32 $0x280, s8  }
0xd: {  	s7 =	sadd.s32 s9, s7;
	s13 =	ssub.s32 s6, s10;
	s31 =	sshrl.u32 s30, $0x2  }
0xe: {  	s7 =	sshrl.u32 s7, $0x3;
	s13 =	smax.u32 s13, $0x1;
	s8 =	sadd.s32 s8, s5  }
0xf: {  	s12 =	sadd.s32 s7, s5;
	s7 =	sadd.s32 s31, s1;
	s5 =	sadd.s32 $0x2F3600, s8  }
0x10: {  	s6 =	sadd.s32 $0x2F8600, s8;
	s8 =	sadd.s32 $0x4000, s7;
	s9 =	sadd.s32 $0x8000, s7  }
0x11: {  	v0 =	vimm.f32 $0.0e+00;
	s10 =	sadd.s32 $0xC000, s7;
	s11 =	sadd.s32 $0x10000, s7;
	s12 =	sadd.s32 $0x4D2200, s12  }
.LBB2_1:
0x12: {  	[tilespmem:s3], [sflag:$0x3] =	stream.linear.gather [hbm4b:s5+s3], $0x1200, $0x38;
	[tilespmem:$0x1E800] =	vst v63  }
0x13: {  	s26 =	simm.s32 $0x0;
	s28 =	simm.s32 $0x200  }
0x14: {  	[tilespmem:s14], [sflag:$0x3] =	stream.linear.gather [hbm4b:s6+s3], $0x1200, $0x38;
	[tilespmem:$0x1E800] =	vst v63  }
.LBB2_2:
0x15: {  	p0 =	sne.s32 s28, $0xFE00;
	[tilespmem:s26+$0x2870] =	vst v0  }
0x16: {  	[tilespmem:s26+$0x2800] =	vst v0  }
0x17: {  	[tilespmem:s26+$0x2810] =	vst v0  }
.Ltmp0:
0x18: {  	[tilespmem:s26+$0x2820] =	vst v0;
	(pc) =	sbr.rel @p0 .LBB2_2-.Ltmp0, $4  }
0x19: {  	[tilespmem:s26+$0x2830] =	vst v0  }
0x1a: {  	[tilespmem:s26+$0x2840] =	vst v0  }
0x1b: {  	[tilespmem:s26+$0x2850] =	vst v0  }
0x1c: {  	[tilespmem:s26+$0x2860] =	vst v0;
	s26 =	sshra.s32 s28, $0x2;
	s28 =	sadd.s32 $0x200, s28  }
0x1d: {  	[tilespmem:s26+$0x2870] =	vst v0  }
0x1e: {  	[tilespmem:s26+$0x2800] =	vst v0  }
0x1f: {  	[tilespmem:s26+$0x2810] =	vst v0  }
0x20: {  	[tilespmem:s26+$0x2820] =	vst v0  }
0x21: {  	[tilespmem:s26+$0x2830] =	vst v0  }
0x22: {  	[tilespmem:s26+$0x2840] =	vst v0  }
0x23: {  	[tilespmem:s26+$0x2850] =	vst v0  }
0x24: {  	[tilespmem:s26+$0x2860] =	vst v0  }
0x25: {  	[spmem:s7] =	stream.linear.scatter [tilespmem:s15], [sflag:$0x1], $0x4000, $0x38;
	[tilespmem:$0x1E800] =	vst v63  }
0x26: {  	_ = 	snop  }
0x27: {  	[spmem:s8] =	stream.linear.scatter [tilespmem:s15], [sflag:$0x1], $0x4000, $0x38;
	[tilespmem:$0x1E800] =	vst v63  }
0x28: {  	_ = 	snop  }
0x29: {  	[spmem:s9] =	stream.linear.scatter [tilespmem:s15], [sflag:$0x1], $0x4000, $0x38;
	[tilespmem:$0x1E800] =	vst v63  }
0x2a: {  	_ = 	snop  }
0x2b: {  	[spmem:s10] =	stream.linear.scatter [tilespmem:s15], [sflag:$0x1], $0x4000, $0x38;
	[tilespmem:$0x1E800] =	vst v63  }
0x2c: {  	_ = 	snop  }
0x2d: {  	[spmem:s11] =	stream.linear.scatter [tilespmem:s15], [sflag:$0x1], $0x4000, $0x38;
	[tilespmem:$0x1E800] =	vst v63  }
0x2e: {  	_ =	swait.ge [sflag:s16], $0x4000  }
0x2f: {  	[sflag:s16] =	ssyncset.done $0x0  }
0x30: {  	[sflag:s16] =	ssyncadd.s32 $0xFFFFC000  }
0x31: {  	_ =	swait.ge [sflag:s16], $0x4000  }
0x32: {  	[sflag:s16] =	ssyncset.done $0x0  }
0x33: {  	[sflag:s16] =	ssyncadd.s32 $0xFFFFC000  }
0x34: {  	_ =	swait.ge [sflag:s16], $0x4000  }
0x35: {  	[sflag:s16] =	ssyncset.done $0x0  }
0x36: {  	[sflag:s16] =	ssyncadd.s32 $0xFFFFC000  }
0x37: {  	_ =	swait.ge [sflag:s16], $0x4000  }
0x38: {  	[sflag:s16] =	ssyncset.done $0x0  }
0x39: {  	[sflag:s16] =	ssyncadd.s32 $0xFFFFC000  }
0x3a: {  	_ =	swait.ge [sflag:s16], $0x4000  }
0x3b: {  	[sflag:s16] =	ssyncset.done $0x0  }
0x3c: {  	[sflag:s16] =	ssyncadd.s32 $0xFFFFC000  }
0x3d: {  	_ =	swait.ge [sflag:s17], $0x1200  }
0x3e: {  	[sflag:s17] =	ssyncset.done $0x0  }
0x3f: {  	[sflag:s17] =	ssyncadd.s32 $0xFFFFEE00  }
0x40: {  	_ =	swait.ge [sflag:s17], $0x1200  }
0x41: {  	[sflag:s17] =	ssyncset.done $0x0  }
0x42: {  	s31 =	simm.s32 $0x0;
	[sflag:s17] =	ssyncadd.s32 $0xFFFFEE00  }
0x43: {  	[tilespmem:s15], [sflag:$0x1] =	stream.indirect.gather [hbm4b:s4+s18], $0x80, s31, s18, $0xb8;
	[tilespmem:$0x1E800] =	vst v63  }
0x44: {  	[bflag:$0x0] =	sbarrier.arrive $0xFFFF  }
0x45: {  	_ =	swait.ge [sflag:s16], $0x4000  }
0x46: {  	[sflag:s16] =	ssyncset.done $0x0  }
0x47: {  	s28 =	simm.s32 $0x80;
	[sflag:s16] =	ssyncadd.s32 $0xFFFFC000  }
0x48: {  	[tilespmem:s19], [sflag:$0x2] =	stream.indirect.gather [hbm4b:s4+s18], $0x80, s28, s18, $0xb8;
	[tilespmem:$0x1E800] =	vst v63  }
0x49: {  	s29 =	simm.s32 $0x1400  }
0x4a: {  	[spmem:s1] =	stream.indirect.scatter.add.f32 [tilespmem:s15], [sflag:$0x4], $0x80, s29, s18, $0xb8;
	[tilespmem:$0x1E800] =	vst v63  }
0x4b: {  	_ =	swait.ge [sflag:s20], $0x4000  }
0x4c: {  	[sflag:s20] =	ssyncset.done $0x0  }
0x4d: {  	[sflag:s20] =	ssyncadd.s32 $0xFFFFC000  }
0x4e: {  	_ =	swait.ge [sflag:s21], $0x4000  }
0x4f: {  	[sflag:s21] =	ssyncset.done $0x0  }
0x50: {  	s30 =	simm.s32 $0x100;
	[sflag:s21] =	ssyncadd.s32 $0xFFFFC000  }
0x51: {  	[tilespmem:s15], [sflag:$0x1] =	stream.indirect.gather [hbm4b:s4+s18], $0x80, s30, s18, $0xb8;
	[tilespmem:$0x1E800] =	vst v63  }
0x52: {  	s31 =	simm.s32 $0x1480  }
0x53: {  	[spmem:s1] =	stream.indirect.scatter.add.f32 [tilespmem:s19], [sflag:$0x4], $0x80, s31, s18, $0xb8;
	[tilespmem:$0x1E800] =	vst v63  }
0x54: {  	_ =	swait.ge [sflag:s20], $0x4000  }
0x55: {  	s26 =	simm.s32 $0x400;
	[sflag:s20] =	ssyncset.done $0x0  }
.LBB2_4:
0x56: {  	p0 =	sne.s32 s26, $0x4000  }
0x57: {  	[sflag:s20] =	ssyncadd.s32 $0xFFFFC000;
	s28 =	smov.u32 s26;
	s26 =	sadd.s32 $0x400, s26  }
0x58: {  	_ = 	snop  }
0x59: {  	_ =	swait.ge [sflag:s16], $0x4000  }
0x5a: {  	s28 =	sshra.s32 s28, $0x2;
	[sflag:s16] =	ssyncset.done $0x0  }
0x5b: {  	s29 =	sadd.s32 $0x80, s28;
	[sflag:s16] =	ssyncadd.s32 $0xFFFFC000  }
0x5c: {  	[tilespmem:s19], [sflag:$0x2] =	stream.indirect.gather [hbm4b:s4+s18], $0x80, s29, s18, $0xb8;
	[tilespmem:$0x1E800] =	vst v63  }
0x5d: {  	s29 =	sadd.s32 $0x1400, s28  }
0x5e: {  	[spmem:s1] =	stream.indirect.scatter.add.f32 [tilespmem:s15], [sflag:$0x4], $0x80, s29, s18, $0xb8;
	[tilespmem:$0x1E800] =	vst v63  }
0x5f: {  	_ =	swait.ge [sflag:s20], $0x4000  }
0x60: {  	[sflag:s20] =	ssyncset.done $0x0  }
0x61: {  	[sflag:s20] =	ssyncadd.s32 $0xFFFFC000  }
0x62: {  	_ =	swait.ge [sflag:s21], $0x4000  }
0x63: {  	[sflag:s21] =	ssyncset.done $0x0  }
0x64: {  	s29 =	sadd.s32 $0x100, s28;
	[sflag:s21] =	ssyncadd.s32 $0xFFFFC000  }
0x65: {  	[tilespmem:s15], [sflag:$0x1] =	stream.indirect.gather [hbm4b:s4+s18], $0x80, s29, s18, $0xb8;
	[tilespmem:$0x1E800] =	vst v63  }
.Ltmp1:
0x66: {  	_ = 	snop;
	(pc) =	sbr.rel @p0 .LBB2_4-.Ltmp1, $4  }
0x67: {  	s28 =	sadd.s32 $0x1480, s28  }
0x68: {  	[spmem:s1] =	stream.indirect.scatter.add.f32 [tilespmem:s19], [sflag:$0x4], $0x80, s28, s18, $0xb8;
	[tilespmem:$0x1E800] =	vst v63  }
0x69: {  	_ =	swait.ge [sflag:s20], $0x4000  }
0x6a: {  	[sflag:s20] =	ssyncset.done $0x0  }
0x6b: {  	[sflag:s20] =	ssyncadd.s32 $0xFFFFC000  }
0x6c: {  	_ =	swait.ge [sflag:s16], $0x4000  }
0x6d: {  	[sflag:s16] =	ssyncset.done $0x0  }
0x6e: {  	[sflag:s16] =	ssyncadd.s32 $0xFFFFC000  }
0x6f: {  	[tilespmem:s19], [sflag:$0x2] =	stream.indirect.gather [hbm4b:s4+s18], $0x80, s22, s18, $0xb8;
	[tilespmem:$0x1E800] =	vst v63  }
0x70: {  	_ = 	snop  }
0x71: {  	[spmem:s1] =	stream.indirect.scatter.add.f32 [tilespmem:s15], [sflag:$0x4], $0x80, s23, s18, $0xb8;
	[tilespmem:$0x1E800] =	vst v63  }
0x72: {  	_ =	swait.ge [sflag:s20], $0x4000  }
0x73: {  	[sflag:s20] =	ssyncset.done $0x0  }
0x74: {  	[sflag:s20] =	ssyncadd.s32 $0xFFFFC000  }
0x75: {  	_ =	swait.ge [sflag:s21], $0x4000  }
0x76: {  	[sflag:s21] =	ssyncset.done $0x0  }
0x77: {  	[sflag:s21] =	ssyncadd.s32 $0xFFFFC000  }
0x78: {  	[spmem:s1] =	stream.indirect.scatter.add.f32 [tilespmem:s19], [sflag:$0x4], $0x80, s24, s18, $0xb8;
	[tilespmem:$0x1E800] =	vst v63  }
0x79: {  	_ =	swait.ge [sflag:s20], $0x4000  }
0x7a: {  	s26 =	sshll.u32 s2, $0x6;
	s25 =	sadd.s32 $0x1, s25;
	[sflag:s20] =	ssyncset.done $0x0  }
0x7b: {  	s28 =	sshrl.u32 s7, $0x3;
	p0 =	sne.s32 s25, s13;
	[sflag:s20] =	ssyncadd.s32 $0xFFFFC000  }
.Ltmp2:
0x7c: {  	s26 =	sor.u32 $0x1C04, s26;
	[bflag:$0x0] =	sbarrier.arrive $0xFFFF;
	(pc) =	sbr.rel @p0 .LBB2_1-.Ltmp2, $4  }
0x7d: {  	[hbm:s12], [sflag:s26] =	dma.local [spmem:s28], $0x2800  }
0x7e: {  	_ =	swait.ge [sflag:s20], $0x2800  }
0x7f: {  	[sflag:s20] =	ssyncset.done $0x0  }
0x80: {  	[sflag:s20] =	ssyncadd.s32 $0xFFFFD800  }
0x81: {  	_ =	sfence.sel $0x180000  }
0x82: {  	[bflag:$0x0] =	sbarrier.arrive $0xFFFF  }
0x83: {  	p0 =	sne.s32 s2, $0x0;
	_ =	strace $0x9000004D  }
0x84: {  	s0 =	sadd.s32 @!p0 $0x100000, s0;
	[bflag:$0x2] =	sbarrier.arrive $0xFFFF  }
0x85: {  	[sflag:s0] =	ssyncadd.tile.s32 @!p0 $0x1;
	_ =	shalt  }
.Lfunc_end2:
_tile_overlayer_lowered:
.L_overlay_start_2:
0x86: {  	(tag) =	ssettag $0x2  }
0x87: {  	s0 =	rddreg [dreg:$0x0];
	s2 =	stileid.u32  }
0x88: {  	s1 =	rddreg [dreg:$0x1];
	p0 =	sne.s32 s2, $0x0  }
0x89: {  	s3 =	rddreg [dreg:$0x2];
	[bflag:$0x3] =	sbarrier.arrive $0xFFFF;
	s2 =	simm.s32 @!p0 $0x1C04  }
0x8a: {  	[timem:s3], [sflag:s2] =	dma.local @!p0 [hbm:s0], s1  }
0x8b: {  	s0 =	simm.s32 @!p0 $0x4  }
0x8c: {  	_ =	swait.ge @!p0 [sflag:s0], s1  }
0x8d: {  	s1 =	ssub.s32 @!p0 $0x0, s1;
	[sflag:s0] =	ssyncset.done @!p0 $0x0  }
0x8e: {  	[sflag:s0] =	ssyncadd.s32 @!p0 s1  }
0x8f: {  	[bflag:$0x3] =	sbarrier.arrive $0xFFFF  }
0x90: {  	_ =	shalt  }

</sc_bundles>
